<compile_context>
chip_gen: v7x
topology: tpu7x:2x2x1
jax: 0.10.2.dev20260603
libtpu: 0.0.44.dev20260713+nightly
codegen_flags: <defaults>
</compile_context>

<pallas_src>
import functools

import jax
import jax.numpy as jnp
from jax import lax
from jax.experimental import pallas as pl
from jax.experimental.pallas import tpu as pltpu
from jax.experimental.pallas import tpu_sc as plsc

N_NODES = 10000
D = 128
NC = 2
NS = 16
NW = NC * NS
EB = 128
NBUF = 2
NIDX = 4
S_ROWS = 10112
SROWS_T = S_ROWS // NS


def _make_seg_sum(cpt):
    mesh = plsc.VectorSubcoreMesh(core_axis_name="c", subcore_axis_name="s")

    @functools.partial(
        pl.kernel,
        mesh=mesh,
        out_type=(
            jax.ShapeDtypeStruct((NC, S_ROWS, D), jnp.float32),
            jax.ShapeDtypeStruct((NW, cpt, EB, D), jnp.float32),
        ),
        scratch_types=[
            pltpu.VMEM((NIDX, EB), jnp.int32),
            pltpu.VMEM((NBUF, EB, D), jnp.float32),
            pltpu.VMEM_SHARED((S_ROWS, D), jnp.float32),
            pltpu.SemaphoreType.DMA((NIDX,)),
            pltpu.SemaphoreType.DMA((NBUF,)),
        ],
    )
    def seg_sum(src_hbm, dst_hbm, x_hbm, zeros_hbm, out_hbm, m_hbm,
                islot, rows, S, isem, rsem):
        c = lax.axis_index("c")
        s = lax.axis_index("s")
        wid = s * NC + c

        def fire_idx(idx_hbm, g, sl):
            pltpu.async_copy(idx_hbm.at[wid, g], islot.at[sl], isem.at[sl])

        def wait_idx(idx_hbm, g, sl):
            pltpu.make_async_copy(
                idx_hbm.at[wid, g], islot.at[sl], isem.at[sl]).wait()

        def fire_gather(sl, b):
            pltpu.async_copy(S.at[islot.at[sl]], rows.at[b], rsem.at[b])

        def wait_gather(sl, b):
            pltpu.make_async_copy(
                S.at[islot.at[sl]], rows.at[b], rsem.at[b]).wait()

        def fire_read(g, b):
            pltpu.async_copy(m_hbm.at[wid, g], rows.at[b], rsem.at[b])

        def wait_read(g, b):
            pltpu.make_async_copy(
                m_hbm.at[wid, g], rows.at[b], rsem.at[b]).wait()

        pltpu.sync_copy(x_hbm.at[pl.ds(s * SROWS_T, SROWS_T)],
                        S.at[pl.ds(s * SROWS_T, SROWS_T)])
        fire_idx(src_hbm, 0, 0)
        fire_idx(src_hbm, 1, 1)
        plsc.subcore_barrier()
        wait_idx(src_hbm, 0, 0)
        fire_gather(0, 0)

        def g_group(gi, carry):
            for u in range(NIDX):
                g = gi * NIDX + u
                b = u % NBUF
                nsl = (u + 1) % NIDX

                @pl.when(g + 1 < cpt)
                def _():
                    wait_idx(src_hbm, g + 1, nsl)
                    fire_gather(nsl, 1 - b)

                @pl.when(g + 2 < cpt)
                def _():
                    fire_idx(src_hbm, g + 2, (u + 2) % NIDX)

                wait_gather(u, b)
                pltpu.sync_copy(rows.at[b], m_hbm.at[wid, g])
            return carry

        lax.fori_loop(0, cpt // NIDX, g_group, 0)

        plsc.subcore_barrier()
        pltpu.sync_copy(zeros_hbm.at[pl.ds(s * SROWS_T, SROWS_T)],
                        S.at[pl.ds(s * SROWS_T, SROWS_T)])
        fire_idx(dst_hbm, 0, 0)
        fire_idx(dst_hbm, 1, 1)
        fire_read(0, 0)
        plsc.subcore_barrier()
        wait_idx(dst_hbm, 0, 0)

        def s_group(gi, carry):
            for u in range(NIDX):
                g = gi * NIDX + u
                b = u % NBUF
                nsl = (u + 1) % NIDX

                @pl.when(g + 1 < cpt)
                def _():
                    wait_idx(dst_hbm, g + 1, nsl)
                    fire_read(g + 1, 1 - b)

                @pl.when(g + 2 < cpt)
                def _():
                    fire_idx(dst_hbm, g + 2, (u + 2) % NIDX)

                wait_read(g, b)
                pltpu.sync_copy(rows.at[b], S.at[islot.at[u]], add=True)
            return carry

        lax.fori_loop(0, cpt // NIDX, s_group, 0)
        plsc.subcore_barrier()

        pltpu.sync_copy(S.at[pl.ds(s * SROWS_T, SROWS_T)],
                        out_hbm.at[c, pl.ds(s * SROWS_T, SROWS_T)])

    return seg_sum


def _mlp_kernel(parts_ref, x_ref, eps_ref,
                w1_ref, b1_ref, g1_ref, bt1_ref,
                w2_ref, b2_ref, g2_ref, bt2_ref, out_ref):
    n = x_ref.shape[0]
    out = (parts_ref[0, :n] + parts_ref[1, :n]
           + (1.0 + eps_ref[0, 0]) * x_ref[...])
    h = jnp.dot(out, w1_ref[...], preferred_element_type=jnp.float32)
    h = h + b1_ref[...]
    mu = jnp.mean(h, axis=0, keepdims=True)
    var = jnp.mean((h - mu) ** 2, axis=0, keepdims=True)
    h = (h - mu) * lax.rsqrt(var + 1e-5) * g1_ref[...] + bt1_ref[...]
    h = jnp.maximum(h, 0.0)
    h = jnp.dot(h, w2_ref[...], preferred_element_type=jnp.float32)
    h = h + b2_ref[...]
    mu = jnp.mean(h, axis=0, keepdims=True)
    var = jnp.mean((h - mu) ** 2, axis=0, keepdims=True)
    h = (h - mu) * lax.rsqrt(var + 1e-5) * g2_ref[...] + bt2_ref[...]
    out_ref[...] = jnp.maximum(h, 0.0)


def kernel(x, edge_index, eps, W1, b1, g1, bt1, W2, b2, g2, bt2):
    n, d = x.shape
    e = edge_index.shape[1]
    quantum = NW * EB * NIDX
    e_pad = quantum * (-(-e // quantum))
    cpt = e_pad // (NW * EB)
    src = edge_index[0]
    dst = edge_index[1]
    pad = e_pad - e
    if pad:
        fill = jnp.arange(pad, dtype=jnp.int32)
        src = jnp.concatenate([src, (fill * 97) % n])
        dst = jnp.concatenate([dst, n + (fill % (S_ROWS - n))])
    src = src.reshape(NW, cpt, EB)
    dst = dst.reshape(NW, cpt, EB)
    x_pad = jnp.concatenate([x, jnp.zeros((S_ROWS - n, d), jnp.float32)])
    zeros = jnp.zeros((S_ROWS, d), jnp.float32)

    parts, _ = _make_seg_sum(cpt)(src, dst, x_pad, zeros)

    out = pl.pallas_call(
        _mlp_kernel,
        out_shape=jax.ShapeDtypeStruct((n, d), jnp.float32),
    )(parts, x, eps.reshape(1, 1),
      W1, b1.reshape(1, d), g1.reshape(1, d), bt1.reshape(1, d),
      W2, b2.reshape(1, d), g2.reshape(1, d), bt2.reshape(1, d))
    return out

# --- scband reference (transcript-rebuilt; emitter-appended) ---
"""Pipeline reference for scband-adjacency-conv-6227702579797 (READ-ONLY COPY).

The authoritative reference and input builder live on the scoring server;
editing this copy changes nothing except your own understanding.
"""

import jax, jax.numpy as jnp
import numpy as np

N, E, D = 10000, 320000, 128

def setup_inputs(seed: int = 0):
    key = jax.random.key(seed)
    ks = jax.random.split(key, 12)
    x = jax.random.normal(ks[0], (N, D), dtype=jnp.float32)
    edge_index = jax.random.randint(ks[1], (2, E), 0, N, dtype=jnp.int32)
    # GIN eps parameter (train_eps=True, initialized to 0.0)
    eps = jnp.zeros((1,), dtype=jnp.float32)
    s = 1.0 / np.sqrt(D)
    W1 = jax.random.uniform(ks[2], (D, D), minval=-s, maxval=s, dtype=jnp.float32)
    b1 = jax.random.uniform(ks[3], (D,), minval=-s, maxval=s, dtype=jnp.float32)
    g1 = jnp.ones((D,), dtype=jnp.float32)
    bt1 = jnp.zeros((D,), dtype=jnp.float32)
    W2 = jax.random.uniform(ks[4], (D, D), minval=-s, maxval=s, dtype=jnp.float32)
    b2 = jax.random.uniform(ks[5], (D,), minval=-s, maxval=s, dtype=jnp.float32)
    g2 = jnp.ones((D,), dtype=jnp.float32)
    bt2 = jnp.zeros((D,), dtype=jnp.float32)
    return {"x": x, "edge_index": edge_index, "eps": eps, "W1": W1, "b1": b1, "g1": g1, "bt1": bt1, "W2": W2, "b2": b2, "g2": g2, "bt2": bt2}

def _batchnorm(h, g, b):
    mu = jnp.mean(h, axis=0)
    var = jnp.var(h, axis=0)
    return (h - mu) / jnp.sqrt(var + 1e-5) * g + b

def reference(x, edge_index, eps, W1, b1, g1, bt1, W2, b2, g2, bt2):
    src = edge_index[0]
    dst = edge_index[1]
    # GINConv (aggr='add'): sum messages x_j from source nodes at destination nodes
    agg = jax.ops.segment_sum(jnp.take(x, src, axis=0), dst, num_segments=x.shape[0])
    out = agg + (1.0 + eps) * x
    # MLP: Linear -> BatchNorm1d (training-mode batch stats) -> ReLU, x2
    h = out @ W1 + b1
    h = _batchnorm(h, g1, bt1)
    h = jax.nn.relu(h)
    h = h @ W2 + b2
    h = _batchnorm(h, g2, bt2)
    h = jax.nn.relu(h)
    return h

if __name__ == "__main__":
    import jax
    _d = setup_inputs()
    print(jax.jit(kernel)(*tuple(_d.values())))

</pallas_src>

<mosaic_0001>
#map = affine_map<(d0, d1) -> (0, 0, 0)>
#map1 = affine_map<(d0, d1) -> (0, 0)>
#map2 = affine_map<(d0, d1) -> (0, 0, 0, 0)>
module attributes {stable_mosaic.version = 14 : i64} {
  func.func @seg_sum(%arg0: i32, %arg1: i32, %arg2: memref<32x80x128xi32, #tpu.memory_space<hbm>>, %arg3: memref<32x80x128xi32, #tpu.memory_space<hbm>>, %arg4: memref<10112x128xf32, #tpu.memory_space<hbm>>, %arg5: memref<10112x128xf32, #tpu.memory_space<hbm>>, %arg6: memref<2x10112x128xf32, #tpu.memory_space<hbm>>, %arg7: memref<32x80x128x128xf32, #tpu.memory_space<hbm>>, %arg8: memref<4x128xi32, #tpu.memory_space<vmem>>, %arg9: memref<2x128x128xf32, #tpu.memory_space<vmem>>, %arg10: memref<10112x128xf32, #tpu.memory_space<vmem_shared>>, %arg11: memref<4x!tpu.dma_semaphore, #tpu.memory_space<semaphore_mem>>, %arg12: memref<2x!tpu.dma_semaphore, #tpu.memory_space<semaphore_mem>>) attributes {dimension_semantics = [#tpu.dimension_semantics<core_parallel>, #tpu.dimension_semantics<subcore_parallel>], iteration_bounds = array<i64: 2, 16>, scalar_prefetch = 0 : i64, scratch_operands = 5 : i64, tpu.core_type = #tpu.core_type<sc_vector_subcore>, window_params = [{transform_indices = #map}, {transform_indices = #map}, {transform_indices = #map1}, {transform_indices = #map1}, {transform_indices = #map}, {transform_indices = #map2}]} {
    %mul3A = arith.constant 2 : i32
    %mul3A_0 = arith.muli %arg1, %mul3A : i32
    %add3A = arith.addi %mul3A_0, %arg0 : i32
    %mul3A_1 = arith.constant 632 : i32
    %mul3A_2 = arith.muli %arg1, %mul3A_1 : i32
    %mul3A_3 = arith.constant 632 : i32
    %mul3A_4 = arith.muli %arg1, %mul3A_3 : i32
    "tpu.region"() ({
      %run_scoped3A = tpu.sem_alloc : memref<!tpu.dma_semaphore, #tpu.memory_space<semaphore_mem>>
      %dma_start3A_163 = arith.constant 0 : i32
      %dma_start3A_164 = tpu.memref_slice %arg10[%mul3A_4, %dma_start3A_163] : memref<10112x128xf32, #tpu.memory_space<vmem_shared>> -> memref<632x128xf32, #tpu.memory_space<vmem_shared>>
      %dma_start3A_165 = arith.constant 0 : i32
      %dma_start3A_166 = tpu.memref_slice %arg4[%mul3A_2, %dma_start3A_165] : memref<10112x128xf32, #tpu.memory_space<hbm>> -> memref<632x128xf32, #tpu.memory_space<hbm>>
      tpu.enqueue_dma source(%dma_start3A_166 : memref<632x128xf32, #tpu.memory_space<hbm>>) target(%dma_start3A_164 : memref<632x128xf32, #tpu.memory_space<vmem_shared>>) target_semaphore(%run_scoped3A : memref<!tpu.dma_semaphore, #tpu.memory_space<semaphore_mem>>)
      %dma_wait3A_167 = arith.constant 0 : i32
      %dma_wait3A_168 = tpu.memref_slice %arg10[%mul3A_4, %dma_wait3A_167] : memref<10112x128xf32, #tpu.memory_space<vmem_shared>> -> memref<632x128xf32, #tpu.memory_space<vmem_shared>>
      %dma_wait3A_169 = arith.constant 0 : i32
      %dma_wait3A_170 = tpu.memref_slice %arg4[%mul3A_2, %dma_wait3A_169] : memref<10112x128xf32, #tpu.memory_space<hbm>> -> memref<632x128xf32, #tpu.memory_space<hbm>>
      tpu.wait_dma2 semaphore(%run_scoped3A : memref<!tpu.dma_semaphore, #tpu.memory_space<semaphore_mem>>) src(%dma_wait3A_170 : memref<632x128xf32, #tpu.memory_space<hbm>>) dst(%dma_wait3A_168 : memref<632x128xf32, #tpu.memory_space<vmem_shared>>)
      tpu.yield
    }) : () -> ()
    %dma_start3A = arith.constant 0 : i32
    %dma_start3A_5 = arith.constant 0 : i32
    %dma_start3A_6 = arith.constant 0 : i32
    %dma_start3A_7 = arith.constant 0 : i32
    %dma_start3A_8 = tpu.memref_slice %arg8[%dma_start3A_5, %dma_start3A_7] : memref<4x128xi32, #tpu.memory_space<vmem>> -> memref<1x128xi32, #tpu.memory_space<vmem>>
    %dma_start3A_9 = tpu.memref_squeeze %dma_start3A_8 : memref<1x128xi32, #tpu.memory_space<vmem>> -> memref<128xi32, #tpu.memory_space<vmem>>
    %dma_start3A_10 = arith.constant 0 : i32
    %dma_start3A_11 = tpu.memref_slice %arg2[%add3A, %dma_start3A, %dma_start3A_10] : memref<32x80x128xi32, #tpu.memory_space<hbm>> -> memref<1x1x128xi32, #tpu.memory_space<hbm>>
    %dma_start3A_12 = tpu.memref_squeeze %dma_start3A_11 : memref<1x1x128xi32, #tpu.memory_space<hbm>> -> memref<128xi32, #tpu.memory_space<hbm>>
    %dma_start3A_13 = tpu.memref_slice %arg11[%dma_start3A_6] : memref<4x!tpu.dma_semaphore, #tpu.memory_space<semaphore_mem>> -> memref<1x!tpu.dma_semaphore, #tpu.memory_space<semaphore_mem>>
    %dma_start3A_14 = tpu.memref_squeeze %dma_start3A_13 : memref<1x!tpu.dma_semaphore, #tpu.memory_space<semaphore_mem>> -> memref<!tpu.dma_semaphore, #tpu.memory_space<semaphore_mem>>
    %dma_start3A_15 = arith.constant 0 : i32
    %dma_start3A_16 = tpu.memref_slice %arg8[%dma_start3A_5, %dma_start3A_15] : memref<4x128xi32, #tpu.memory_space<vmem>> -> memref<1x128xi32, #tpu.memory_space<vmem>>
    %dma_start3A_17 = tpu.memref_squeeze %dma_start3A_16 : memref<1x128xi32, #tpu.memory_space<vmem>> -> memref<128xi32, #tpu.memory_space<vmem>>
    %dma_start3A_18 = arith.constant 0 : i32
    %dma_start3A_19 = tpu.memref_slice %arg2[%add3A, %dma_start3A, %dma_start3A_18] : memref<32x80x128xi32, #tpu.memory_space<hbm>> -> memref<1x1x128xi32, #tpu.memory_space<hbm>>
    %dma_start3A_20 = tpu.memref_squeeze %dma_start3A_19 : memref<1x1x128xi32, #tpu.memory_space<hbm>> -> memref<128xi32, #tpu.memory_space<hbm>>
    tpu.enqueue_dma source(%dma_start3A_20 : memref<128xi32, #tpu.memory_space<hbm>>) target(%dma_start3A_17 : memref<128xi32, #tpu.memory_space<vmem>>) target_semaphore(%dma_start3A_14 : memref<!tpu.dma_semaphore, #tpu.memory_space<semaphore_mem>>)
    %dma_start3A_21 = arith.constant 1 : i32
    %dma_start3A_22 = arith.constant 1 : i32
    %dma_start3A_23 = arith.constant 1 : i32
    %dma_start3A_24 = arith.constant 0 : i32
    %dma_start3A_25 = tpu.memref_slice %arg8[%dma_start3A_22, %dma_start3A_24] : memref<4x128xi32, #tpu.memory_space<vmem>> -> memref<1x128xi32, #tpu.memory_space<vmem>>
    %dma_start3A_26 = tpu.memref_squeeze %dma_start3A_25 : memref<1x128xi32, #tpu.memory_space<vmem>> -> memref<128xi32, #tpu.memory_space<vmem>>
    %dma_start3A_27 = arith.constant 0 : i32
    %dma_start3A_28 = tpu.memref_slice %arg2[%add3A, %dma_start3A_21, %dma_start3A_27] : memref<32x80x128xi32, #tpu.memory_space<hbm>> -> memref<1x1x128xi32, #tpu.memory_space<hbm>>
    %dma_start3A_29 = tpu.memref_squeeze %dma_start3A_28 : memref<1x1x128xi32, #tpu.memory_space<hbm>> -> memref<128xi32, #tpu.memory_space<hbm>>
    %dma_start3A_30 = tpu.memref_slice %arg11[%dma_start3A_23] : memref<4x!tpu.dma_semaphore, #tpu.memory_space<semaphore_mem>> -> memref<1x!tpu.dma_semaphore, #tpu.memory_space<semaphore_mem>>
    %dma_start3A_31 = tpu.memref_squeeze %dma_start3A_30 : memref<1x!tpu.dma_semaphore, #tpu.memory_space<semaphore_mem>> -> memref<!tpu.dma_semaphore, #tpu.memory_space<semaphore_mem>>
    %dma_start3A_32 = arith.constant 0 : i32
    %dma_start3A_33 = tpu.memref_slice %arg8[%dma_start3A_22, %dma_start3A_32] : memref<4x128xi32, #tpu.memory_space<vmem>> -> memref<1x128xi32, #tpu.memory_space<vmem>>
    %dma_start3A_34 = tpu.memref_squeeze %dma_start3A_33 : memref<1x128xi32, #tpu.memory_space<vmem>> -> memref<128xi32, #tpu.memory_space<vmem>>
    %dma_start3A_35 = arith.constant 0 : i32
    %dma_start3A_36 = tpu.memref_slice %arg2[%add3A, %dma_start3A_21, %dma_start3A_35] : memref<32x80x128xi32, #tpu.memory_space<hbm>> -> memref<1x1x128xi32, #tpu.memory_space<hbm>>
    %dma_start3A_37 = tpu.memref_squeeze %dma_start3A_36 : memref<1x1x128xi32, #tpu.memory_space<hbm>> -> memref<128xi32, #tpu.memory_space<hbm>>
    tpu.enqueue_dma source(%dma_start3A_37 : memref<128xi32, #tpu.memory_space<hbm>>) target(%dma_start3A_34 : memref<128xi32, #tpu.memory_space<vmem>>) target_semaphore(%dma_start3A_31 : memref<!tpu.dma_semaphore, #tpu.memory_space<semaphore_mem>>)
    %barrier3A = arith.constant 0 : index
    tpu.barrier barrier_id(%barrier3A)
    %dma_wait3A = arith.constant 0 : i32
    %dma_wait3A_38 = arith.constant 0 : i32
    %dma_wait3A_39 = arith.constant 0 : i32
    %dma_wait3A_40 = arith.constant 0 : i32
    %dma_wait3A_41 = tpu.memref_slice %arg8[%dma_wait3A_38, %dma_wait3A_40] : memref<4x128xi32, #tpu.memory_space<vmem>> -> memref<1x128xi32, #tpu.memory_space<vmem>>
    %dma_wait3A_42 = tpu.memref_squeeze %dma_wait3A_41 : memref<1x128xi32, #tpu.memory_space<vmem>> -> memref<128xi32, #tpu.memory_space<vmem>>
    %dma_wait3A_43 = arith.constant 0 : i32
    %dma_wait3A_44 = tpu.memref_slice %arg2[%add3A, %dma_wait3A, %dma_wait3A_43] : memref<32x80x128xi32, #tpu.memory_space<hbm>> -> memref<1x1x128xi32, #tpu.memory_space<hbm>>
    %dma_wait3A_45 = tpu.memref_squeeze %dma_wait3A_44 : memref<1x1x128xi32, #tpu.memory_space<hbm>> -> memref<128xi32, #tpu.memory_space<hbm>>
    %dma_wait3A_46 = tpu.memref_slice %arg11[%dma_wait3A_39] : memref<4x!tpu.dma_semaphore, #tpu.memory_space<semaphore_mem>> -> memref<1x!tpu.dma_semaphore, #tpu.memory_space<semaphore_mem>>
    %dma_wait3A_47 = tpu.memref_squeeze %dma_wait3A_46 : memref<1x!tpu.dma_semaphore, #tpu.memory_space<semaphore_mem>> -> memref<!tpu.dma_semaphore, #tpu.memory_space<semaphore_mem>>
    %dma_wait3A_48 = arith.constant 0 : i32
    %dma_wait3A_49 = tpu.memref_slice %arg8[%dma_wait3A_38, %dma_wait3A_48] : memref<4x128xi32, #tpu.memory_space<vmem>> -> memref<1x128xi32, #tpu.memory_space<vmem>>
    %dma_wait3A_50 = tpu.memref_squeeze %dma_wait3A_49 : memref<1x128xi32, #tpu.memory_space<vmem>> -> memref<128xi32, #tpu.memory_space<vmem>>
    %dma_wait3A_51 = arith.constant 0 : i32
    %dma_wait3A_52 = tpu.memref_slice %arg2[%add3A, %dma_wait3A, %dma_wait3A_51] : memref<32x80x128xi32, #tpu.memory_space<hbm>> -> memref<1x1x128xi32, #tpu.memory_space<hbm>>
    %dma_wait3A_53 = tpu.memref_squeeze %dma_wait3A_52 : memref<1x1x128xi32, #tpu.memory_space<hbm>> -> memref<128xi32, #tpu.memory_space<hbm>>
    tpu.wait_dma2 semaphore(%dma_wait3A_47 : memref<!tpu.dma_semaphore, #tpu.memory_space<semaphore_mem>>) src(%dma_wait3A_53 : memref<128xi32, #tpu.memory_space<hbm>>) dst(%dma_wait3A_50 : memref<128xi32, #tpu.memory_space<vmem>>)
    %dma_start3A_54 = arith.constant 0 : i32
    %dma_start3A_55 = arith.constant 0 : i32
    %dma_start3A_56 = arith.constant 0 : i32
    %dma_start3A_57 = arith.constant 0 : i32
    %dma_start3A_58 = arith.constant 0 : i32
    %dma_start3A_59 = tpu.memref_slice %arg9[%dma_start3A_55, %dma_start3A_57, %dma_start3A_58] : memref<2x128x128xf32, #tpu.memory_space<vmem>> -> memref<1x128x128xf32, #tpu.memory_space<vmem>>
    %dma_start3A_60 = tpu.memref_squeeze %dma_start3A_59 : memref<1x128x128xf32, #tpu.memory_space<vmem>> -> memref<128x128xf32, #tpu.memory_space<vmem>>
    %dma_start3A_61 = arith.constant 0 : i32
    %dma_start3A_62 = tpu.memref_slice %arg8[%dma_start3A_54, %dma_start3A_61] : memref<4x128xi32, #tpu.memory_space<vmem>> -> memref<1x128xi32, #tpu.memory_space<vmem>>
    %dma_start3A_63 = tpu.memref_squeeze %dma_start3A_62 : memref<1x128xi32, #tpu.memory_space<vmem>> -> memref<128xi32, #tpu.memory_space<vmem>>
    %dma_start3A_64 = arith.constant 0 : i32
    %dma_start3A_65 = arith.constant 0 : i32
    %dma_start3A_66 = tpu.memref_slice %arg10[%dma_start3A_64, %dma_start3A_65] : memref<10112x128xf32, #tpu.memory_space<vmem_shared>> -> memref<10112x128xf32, #tpu.memory_space<vmem_shared>>
    %dma_start3A_67 = tpu.memref_slice %arg12[%dma_start3A_56] : memref<2x!tpu.dma_semaphore, #tpu.memory_space<semaphore_mem>> -> memref<1x!tpu.dma_semaphore, #tpu.memory_space<semaphore_mem>>
    %dma_start3A_68 = tpu.memref_squeeze %dma_start3A_67 : memref<1x!tpu.dma_semaphore, #tpu.memory_space<semaphore_mem>> -> memref<!tpu.dma_semaphore, #tpu.memory_space<semaphore_mem>>
    tpu.enqueue_indirect_dma source(%dma_start3A_66 : memref<10112x128xf32, #tpu.memory_space<vmem_shared>>) target(%dma_start3A_60 : memref<128x128xf32, #tpu.memory_space<vmem>>) offsets(%dma_start3A_63 : memref<128xi32, #tpu.memory_space<vmem>>) semaphore(%dma_start3A_68 : memref<!tpu.dma_semaphore, #tpu.memory_space<semaphore_mem>>)
    %scan3A = arith.constant 0 : i32
    %scan3A_69 = arith.constant 0 : i32
    %scan3A_70 = arith.constant 20 : i32
    %scan3A_71 = arith.addi %scan3A_69, %scan3A_70 : i32
    %scan3A_72 = arith.constant 1 : i32
    scf.for %scan3A_163 = %scan3A_69 to %scan3A_71 step %scan3A_72  : i32 {
      %mul3A_164 = arith.constant 4 : i32
      %mul3A_165 = arith.muli %scan3A_163, %mul3A_164 : i32
      %add3A_166 = arith.constant 0 : i32
      %add3A_167 = arith.addi %mul3A_165, %add3A_166 : i32
      %add3A_168 = arith.constant 1 : i32
      %add3A_169 = arith.addi %add3A_167, %add3A_168 : i32
      %lt3A = arith.constant 80 : i32
      %lt3A_170 = arith.cmpi slt, %add3A_169, %lt3A : i32
      %convert_element_type3A = arith.extui %lt3A_170 : i1 to i32
      %cond3A = arith.constant 0 : i32
      %cond3A_171 = arith.cmpi ne, %convert_element_type3A, %cond3A : i32
      scf.if %cond3A_171 {
        %add3A_296 = arith.constant 1 : i32
        %add3A_297 = arith.addi %add3A_167, %add3A_296 : i32
        %dma_wait3A_298 = arith.constant 1 : i32
        %dma_wait3A_299 = arith.constant 1 : i32
        %dma_wait3A_300 = arith.constant 0 : i32
        %dma_wait3A_301 = tpu.memref_slice %arg8[%dma_wait3A_298, %dma_wait3A_300] : memref<4x128xi32, #tpu.memory_space<vmem>> -> memref<1x128xi32, #tpu.memory_space<vmem>>
        %dma_wait3A_302 = tpu.memref_squeeze %dma_wait3A_301 : memref<1x128xi32, #tpu.memory_space<vmem>> -> memref<128xi32, #tpu.memory_space<vmem>>
        %dma_wait3A_303 = arith.constant 0 : i32
        %dma_wait3A_304 = tpu.memref_slice %arg2[%add3A, %add3A_297, %dma_wait3A_303] : memref<32x80x128xi32, #tpu.memory_space<hbm>> -> memref<1x1x128xi32, #tpu.memory_space<hbm>>
        %dma_wait3A_305 = tpu.memref_squeeze %dma_wait3A_304 : memref<1x1x128xi32, #tpu.memory_space<hbm>> -> memref<128xi32, #tpu.memory_space<hbm>>
        %dma_wait3A_306 = tpu.memref_slice %arg11[%dma_wait3A_299] : memref<4x!tpu.dma_semaphore, #tpu.memory_space<semaphore_mem>> -> memref<1x!tpu.dma_semaphore, #tpu.memory_space<semaphore_mem>>
        %dma_wait3A_307 = tpu.memref_squeeze %dma_wait3A_306 : memref<1x!tpu.dma_semaphore, #tpu.memory_space<semaphore_mem>> -> memref<!tpu.dma_semaphore, #tpu.memory_space<semaphore_mem>>
        %dma_wait3A_308 = arith.constant 0 : i32
        %dma_wait3A_309 = tpu.memref_slice %arg8[%dma_wait3A_298, %dma_wait3A_308] : memref<4x128xi32, #tpu.memory_space<vmem>> -> memref<1x128xi32, #tpu.memory_space<vmem>>
        %dma_wait3A_310 = tpu.memref_squeeze %dma_wait3A_309 : memref<1x128xi32, #tpu.memory_space<vmem>> -> memref<128xi32, #tpu.memory_space<vmem>>
        %dma_wait3A_311 = arith.constant 0 : i32
        %dma_wait3A_312 = tpu.memref_slice %arg2[%add3A, %add3A_297, %dma_wait3A_311] : memref<32x80x128xi32, #tpu.memory_space<hbm>> -> memref<1x1x128xi32, #tpu.memory_space<hbm>>
        %dma_wait3A_313 = tpu.memref_squeeze %dma_wait3A_312 : memref<1x1x128xi32, #tpu.memory_space<hbm>> -> memref<128xi32, #tpu.memory_space<hbm>>
        tpu.wait_dma2 semaphore(%dma_wait3A_307 : memref<!tpu.dma_semaphore, #tpu.memory_space<semaphore_mem>>) src(%dma_wait3A_313 : memref<128xi32, #tpu.memory_space<hbm>>) dst(%dma_wait3A_310 : memref<128xi32, #tpu.memory_space<vmem>>)
        %dma_start3A_314 = arith.constant 1 : i32
        %dma_start3A_315 = arith.constant 1 : i32
        %dma_start3A_316 = arith.constant 1 : i32
        %dma_start3A_317 = arith.constant 0 : i32
        %dma_start3A_318 = arith.constant 0 : i32
        %dma_start3A_319 = tpu.memref_slice %arg9[%dma_start3A_315, %dma_start3A_317, %dma_start3A_318] : memref<2x128x128xf32, #tpu.memory_space<vmem>> -> memref<1x128x128xf32, #tpu.memory_space<vmem>>
        %dma_start3A_320 = tpu.memref_squeeze %dma_start3A_319 : memref<1x128x128xf32, #tpu.memory_space<vmem>> -> memref<128x128xf32, #tpu.memory_space<vmem>>
        %dma_start3A_321 = arith.constant 0 : i32
        %dma_start3A_322 = tpu.memref_slice %arg8[%dma_start3A_314, %dma_start3A_321] : memref<4x128xi32, #tpu.memory_space<vmem>> -> memref<1x128xi32, #tpu.memory_space<vmem>>
        %dma_start3A_323 = tpu.memref_squeeze %dma_start3A_322 : memref<1x128xi32, #tpu.memory_space<vmem>> -> memref<128xi32, #tpu.memory_space<vmem>>
        %dma_start3A_324 = arith.constant 0 : i32
        %dma_start3A_325 = arith.constant 0 : i32
        %dma_start3A_326 = tpu.memref_slice %arg10[%dma_start3A_324, %dma_start3A_325] : memref<10112x128xf32, #tpu.memory_space<vmem_shared>> -> memref<10112x128xf32, #tpu.memory_space<vmem_shared>>
        %dma_start3A_327 = tpu.memref_slice %arg12[%dma_start3A_316] : memref<2x!tpu.dma_semaphore, #tpu.memory_space<semaphore_mem>> -> memref<1x!tpu.dma_semaphore, #tpu.memory_space<semaphore_mem>>
        %dma_start3A_328 = tpu.memref_squeeze %dma_start3A_327 : memref<1x!tpu.dma_semaphore, #tpu.memory_space<semaphore_mem>> -> memref<!tpu.dma_semaphore, #tpu.memory_space<semaphore_mem>>
        tpu.enqueue_indirect_dma source(%dma_start3A_326 : memref<10112x128xf32, #tpu.memory_space<vmem_shared>>) target(%dma_start3A_320 : memref<128x128xf32, #tpu.memory_space<vmem>>) offsets(%dma_start3A_323 : memref<128xi32, #tpu.memory_space<vmem>>) semaphore(%dma_start3A_328 : memref<!tpu.dma_semaphore, #tpu.memory_space<semaphore_mem>>)
      } else {
      }
      %add3A_172 = arith.constant 2 : i32
      %add3A_173 = arith.addi %add3A_167, %add3A_172 : i32
      %lt3A_174 = arith.constant 80 : i32
      %lt3A_175 = arith.cmpi slt, %add3A_173, %lt3A_174 : i32
      %convert_element_type3A_176 = arith.extui %lt3A_175 : i1 to i32
      %cond3A_177 = arith.constant 0 : i32
      %cond3A_178 = arith.cmpi ne, %convert_element_type3A_176, %cond3A_177 : i32
      scf.if %cond3A_178 {
        %add3A_296 = arith.constant 2 : i32
        %add3A_297 = arith.addi %add3A_167, %add3A_296 : i32
        %dma_start3A_298 = arith.constant 2 : i32
        %dma_start3A_299 = arith.constant 2 : i32
        %dma_start3A_300 = arith.constant 0 : i32
        %dma_start3A_301 = tpu.memref_slice %arg8[%dma_start3A_298, %dma_start3A_300] : memref<4x128xi32, #tpu.memory_space<vmem>> -> memref<1x128xi32, #tpu.memory_space<vmem>>
        %dma_start3A_302 = tpu.memref_squeeze %dma_start3A_301 : memref<1x128xi32, #tpu.memory_space<vmem>> -> memref<128xi32, #tpu.memory_space<vmem>>
        %dma_start3A_303 = arith.constant 0 : i32
        %dma_start3A_304 = tpu.memref_slice %arg2[%add3A, %add3A_297, %dma_start3A_303] : memref<32x80x128xi32, #tpu.memory_space<hbm>> -> memref<1x1x128xi32, #tpu.memory_space<hbm>>
        %dma_start3A_305 = tpu.memref_squeeze %dma_start3A_304 : memref<1x1x128xi32, #tpu.memory_space<hbm>> -> memref<128xi32, #tpu.memory_space<hbm>>
        %dma_start3A_306 = tpu.memref_slice %arg11[%dma_start3A_299] : memref<4x!tpu.dma_semaphore, #tpu.memory_space<semaphore_mem>> -> memref<1x!tpu.dma_semaphore, #tpu.memory_space<semaphore_mem>>
        %dma_start3A_307 = tpu.memref_squeeze %dma_start3A_306 : memref<1x!tpu.dma_semaphore, #tpu.memory_space<semaphore_mem>> -> memref<!tpu.dma_semaphore, #tpu.memory_space<semaphore_mem>>
        %dma_start3A_308 = arith.constant 0 : i32
        %dma_start3A_309 = tpu.memref_slice %arg8[%dma_start3A_298, %dma_start3A_308] : memref<4x128xi32, #tpu.memory_space<vmem>> -> memref<1x128xi32, #tpu.memory_space<vmem>>
        %dma_start3A_310 = tpu.memref_squeeze %dma_start3A_309 : memref<1x128xi32, #tpu.memory_space<vmem>> -> memref<128xi32, #tpu.memory_space<vmem>>
        %dma_start3A_311 = arith.constant 0 : i32
        %dma_start3A_312 = tpu.memref_slice %arg2[%add3A, %add3A_297, %dma_start3A_311] : memref<32x80x128xi32, #tpu.memory_space<hbm>> -> memref<1x1x128xi32, #tpu.memory_space<hbm>>
        %dma_start3A_313 = tpu.memref_squeeze %dma_start3A_312 : memref<1x1x128xi32, #tpu.memory_space<hbm>> -> memref<128xi32, #tpu.memory_space<hbm>>
        tpu.enqueue_dma source(%dma_start3A_313 : memref<128xi32, #tpu.memory_space<hbm>>) target(%dma_start3A_310 : memref<128xi32, #tpu.memory_space<vmem>>) target_semaphore(%dma_start3A_307 : memref<!tpu.dma_semaphore, #tpu.memory_space<semaphore_mem>>)
      } else {
      }
      %dma_wait3A_179 = arith.constant 0 : i32
      %dma_wait3A_180 = arith.constant 0 : i32
      %dma_wait3A_181 = arith.constant 0 : i32
      %dma_wait3A_182 = arith.constant 0 : i32
      %dma_wait3A_183 = arith.constant 0 : i32
      %dma_wait3A_184 = tpu.memref_slice %arg9[%dma_wait3A_180, %dma_wait3A_182, %dma_wait3A_183] : memref<2x128x128xf32, #tpu.memory_space<vmem>> -> memref<1x128x128xf32, #tpu.memory_space<vmem>>
      %dma_wait3A_185 = tpu.memref_squeeze %dma_wait3A_184 : memref<1x128x128xf32, #tpu.memory_space<vmem>> -> memref<128x128xf32, #tpu.memory_space<vmem>>
      %dma_wait3A_186 = arith.constant 0 : i32
      %dma_wait3A_187 = tpu.memref_slice %arg8[%dma_wait3A_179, %dma_wait3A_186] : memref<4x128xi32, #tpu.memory_space<vmem>> -> memref<1x128xi32, #tpu.memory_space<vmem>>
      %dma_wait3A_188 = tpu.memref_squeeze %dma_wait3A_187 : memref<1x128xi32, #tpu.memory_space<vmem>> -> memref<128xi32, #tpu.memory_space<vmem>>
      %dma_wait3A_189 = arith.constant 0 : i32
      %dma_wait3A_190 = arith.constant 0 : i32
      %dma_wait3A_191 = tpu.memref_slice %arg10[%dma_wait3A_189, %dma_wait3A_190] : memref<10112x128xf32, #tpu.memory_space<vmem_shared>> -> memref<10112x128xf32, #tpu.memory_space<vmem_shared>>
      %dma_wait3A_192 = tpu.memref_slice %arg12[%dma_wait3A_181] : memref<2x!tpu.dma_semaphore, #tpu.memory_space<semaphore_mem>> -> memref<1x!tpu.dma_semaphore, #tpu.memory_space<semaphore_mem>>
      %dma_wait3A_193 = tpu.memref_squeeze %dma_wait3A_192 : memref<1x!tpu.dma_semaphore, #tpu.memory_space<semaphore_mem>> -> memref<!tpu.dma_semaphore, #tpu.memory_space<semaphore_mem>>
      tpu.wait_indirect_dma semaphore(%dma_wait3A_193 : memref<!tpu.dma_semaphore, #tpu.memory_space<semaphore_mem>>) src(%dma_wait3A_191 : memref<10112x128xf32, #tpu.memory_space<vmem_shared>>) dst(%dma_wait3A_185 : memref<128x128xf32, #tpu.memory_space<vmem>>)
      %run_scoped3A = arith.constant 0 : i32
      "tpu.region"() ({
        %run_scoped3A_296 = tpu.sem_alloc : memref<!tpu.dma_semaphore, #tpu.memory_space<semaphore_mem>>
        %dma_start3A_297 = arith.constant 0 : i32
        %dma_start3A_298 = arith.constant 0 : i32
        %dma_start3A_299 = tpu.memref_slice %arg9[%run_scoped3A, %dma_start3A_297, %dma_start3A_298] : memref<2x128x128xf32, #tpu.memory_space<vmem>> -> memref<1x128x128xf32, #tpu.memory_space<vmem>>
        %dma_start3A_300 = tpu.memref_squeeze %dma_start3A_299 : memref<1x128x128xf32, #tpu.memory_space<vmem>> -> memref<128x128xf32, #tpu.memory_space<vmem>>
        %dma_start3A_301 = arith.constant 0 : i32
        %dma_start3A_302 = arith.constant 0 : i32
        %dma_start3A_303 = tpu.memref_slice %arg7[%add3A, %add3A_167, %dma_start3A_301, %dma_start3A_302] : memref<32x80x128x128xf32, #tpu.memory_space<hbm>> -> memref<1x1x128x128xf32, #tpu.memory_space<hbm>>
        %dma_start3A_304 = tpu.memref_squeeze %dma_start3A_303 : memref<1x1x128x128xf32, #tpu.memory_space<hbm>> -> memref<128x128xf32, #tpu.memory_space<hbm>>
        %dma_start3A_305 = arith.constant 0 : i32
        %dma_start3A_306 = arith.constant 0 : i32
        %dma_start3A_307 = tpu.memref_slice %arg7[%add3A, %add3A_167, %dma_start3A_305, %dma_start3A_306] : memref<32x80x128x128xf32, #tpu.memory_space<hbm>> -> memref<1x1x128x128xf32, #tpu.memory_space<hbm>>
        %dma_start3A_308 = tpu.memref_squeeze %dma_start3A_307 : memref<1x1x128x128xf32, #tpu.memory_space<hbm>> -> memref<128x128xf32, #tpu.memory_space<hbm>>
        %dma_start3A_309 = arith.constant 0 : i32
        %dma_start3A_310 = arith.constant 0 : i32
        %dma_start3A_311 = tpu.memref_slice %arg9[%run_scoped3A, %dma_start3A_309, %dma_start3A_310] : memref<2x128x128xf32, #tpu.memory_space<vmem>> -> memref<1x128x128xf32, #tpu.memory_space<vmem>>
        %dma_start3A_312 = tpu.memref_squeeze %dma_start3A_311 : memref<1x128x128xf32, #tpu.memory_space<vmem>> -> memref<128x128xf32, #tpu.memory_space<vmem>>
        tpu.enqueue_dma source(%dma_start3A_312 : memref<128x128xf32, #tpu.memory_space<vmem>>) target(%dma_start3A_308 : memref<128x128xf32, #tpu.memory_space<hbm>>) target_semaphore(%run_scoped3A_296 : memref<!tpu.dma_semaphore, #tpu.memory_space<semaphore_mem>>)
        %dma_wait3A_313 = arith.constant 0 : i32
        %dma_wait3A_314 = arith.constant 0 : i32
        %dma_wait3A_315 = tpu.memref_slice %arg9[%run_scoped3A, %dma_wait3A_313, %dma_wait3A_314] : memref<2x128x128xf32, #tpu.memory_space<vmem>> -> memref<1x128x128xf32, #tpu.memory_space<vmem>>
        %dma_wait3A_316 = tpu.memref_squeeze %dma_wait3A_315 : memref<1x128x128xf32, #tpu.memory_space<vmem>> -> memref<128x128xf32, #tpu.memory_space<vmem>>
        %dma_wait3A_317 = arith.constant 0 : i32
        %dma_wait3A_318 = arith.constant 0 : i32
        %dma_wait3A_319 = tpu.memref_slice %arg7[%add3A, %add3A_167, %dma_wait3A_317, %dma_wait3A_318] : memref<32x80x128x128xf32, #tpu.memory_space<hbm>> -> memref<1x1x128x128xf32, #tpu.memory_space<hbm>>
        %dma_wait3A_320 = tpu.memref_squeeze %dma_wait3A_319 : memref<1x1x128x128xf32, #tpu.memory_space<hbm>> -> memref<128x128xf32, #tpu.memory_space<hbm>>
        %dma_wait3A_321 = arith.constant 0 : i32
        %dma_wait3A_322 = arith.constant 0 : i32
        %dma_wait3A_323 = tpu.memref_slice %arg7[%add3A, %add3A_167, %dma_wait3A_321, %dma_wait3A_322] : memref<32x80x128x128xf32, #tpu.memory_space<hbm>> -> memref<1x1x128x128xf32, #tpu.memory_space<hbm>>
        %dma_wait3A_324 = tpu.memref_squeeze %dma_wait3A_323 : memref<1x1x128x128xf32, #tpu.memory_space<hbm>> -> memref<128x128xf32, #tpu.memory_space<hbm>>
        %dma_wait3A_325 = arith.constant 0 : i32
        %dma_wait3A_326 = arith.constant 0 : i32
        %dma_wait3A_327 = tpu.memref_slice %arg9[%run_scoped3A, %dma_wait3A_325, %dma_wait3A_326] : memref<2x128x128xf32, #tpu.memory_space<vmem>> -> memref<1x128x128xf32, #tpu.memory_space<vmem>>
        %dma_wait3A_328 = tpu.memref_squeeze %dma_wait3A_327 : memref<1x128x128xf32, #tpu.memory_space<vmem>> -> memref<128x128xf32, #tpu.memory_space<vmem>>
        tpu.wait_dma2 semaphore(%run_scoped3A_296 : memref<!tpu.dma_semaphore, #tpu.memory_space<semaphore_mem>>) src(%dma_wait3A_328 : memref<128x128xf32, #tpu.memory_space<vmem>>) dst(%dma_wait3A_324 : memref<128x128xf32, #tpu.memory_space<hbm>>)
        tpu.yield
      }) : () -> ()
      %mul3A_194 = arith.constant 4 : i32
      %mul3A_195 = arith.muli %scan3A_163, %mul3A_194 : i32
      %add3A_196 = arith.constant 1 : i32
      %add3A_197 = arith.addi %mul3A_195, %add3A_196 : i32
      %add3A_198 = arith.constant 1 : i32
      %add3A_199 = arith.addi %add3A_197, %add3A_198 : i32
      %lt3A_200 = arith.constant 80 : i32
      %lt3A_201 = arith.cmpi slt, %add3A_199, %lt3A_200 : i32
      %convert_element_type3A_202 = arith.extui %lt3A_201 : i1 to i32
      %cond3A_203 = arith.constant 0 : i32
      %cond3A_204 = arith.cmpi ne, %convert_element_type3A_202, %cond3A_203 : i32
      scf.if %cond3A_204 {
        %add3A_296 = arith.constant 1 : i32
        %add3A_297 = arith.addi %add3A_197, %add3A_296 : i32
        %dma_wait3A_298 = arith.constant 2 : i32
        %dma_wait3A_299 = arith.constant 2 : i32
        %dma_wait3A_300 = arith.constant 0 : i32
        %dma_wait3A_301 = tpu.memref_slice %arg8[%dma_wait3A_298, %dma_wait3A_300] : memref<4x128xi32, #tpu.memory_space<vmem>> -> memref<1x128xi32, #tpu.memory_space<vmem>>
        %dma_wait3A_302 = tpu.memref_squeeze %dma_wait3A_301 : memref<1x128xi32, #tpu.memory_space<vmem>> -> memref<128xi32, #tpu.memory_space<vmem>>
        %dma_wait3A_303 = arith.constant 0 : i32
        %dma_wait3A_304 = tpu.memref_slice %arg2[%add3A, %add3A_297, %dma_wait3A_303] : memref<32x80x128xi32, #tpu.memory_space<hbm>> -> memref<1x1x128xi32, #tpu.memory_space<hbm>>
        %dma_wait3A_305 = tpu.memref_squeeze %dma_wait3A_304 : memref<1x1x128xi32, #tpu.memory_space<hbm>> -> memref<128xi32, #tpu.memory_space<hbm>>
        %dma_wait3A_306 = tpu.memref_slice %arg11[%dma_wait3A_299] : memref<4x!tpu.dma_semaphore, #tpu.memory_space<semaphore_mem>> -> memref<1x!tpu.dma_semaphore, #tpu.memory_space<semaphore_mem>>
        %dma_wait3A_307 = tpu.memref_squeeze %dma_wait3A_306 : memref<1x!tpu.dma_semaphore, #tpu.memory_space<semaphore_mem>> -> memref<!tpu.dma_semaphore, #tpu.memory_space<semaphore_mem>>
        %dma_wait3A_308 = arith.constant 0 : i32
        %dma_wait3A_309 = tpu.memref_slice %arg8[%dma_wait3A_298, %dma_wait3A_308] : memref<4x128xi32, #tpu.memory_space<vmem>> -> memref<1x128xi32, #tpu.memory_space<vmem>>
        %dma_wait3A_310 = tpu.memref_squeeze %dma_wait3A_309 : memref<1x128xi32, #tpu.memory_space<vmem>> -> memref<128xi32, #tpu.memory_space<vmem>>
        %dma_wait3A_311 = arith.constant 0 : i32
        %dma_wait3A_312 = tpu.memref_slice %arg2[%add3A, %add3A_297, %dma_wait3A_311] : memref<32x80x128xi32, #tpu.memory_space<hbm>> -> memref<1x1x128xi32, #tpu.memory_space<hbm>>
        %dma_wait3A_313 = tpu.memref_squeeze %dma_wait3A_312 : memref<1x1x128xi32, #tpu.memory_space<hbm>> -> memref<128xi32, #tpu.memory_space<hbm>>
        tpu.wait_dma2 semaphore(%dma_wait3A_307 : memref<!tpu.dma_semaphore, #tpu.memory_space<semaphore_mem>>) src(%dma_wait3A_313 : memref<128xi32, #tpu.memory_space<hbm>>) dst(%dma_wait3A_310 : memref<128xi32, #tpu.memory_space<vmem>>)
        %dma_start3A_314 = arith.constant 2 : i32
        %dma_start3A_315 = arith.constant 0 : i32
        %dma_start3A_316 = arith.constant 0 : i32
        %dma_start3A_317 = arith.constant 0 : i32
        %dma_start3A_318 = arith.constant 0 : i32
        %dma_start3A_319 = tpu.memref_slice %arg9[%dma_start3A_315, %dma_start3A_317, %dma_start3A_318] : memref<2x128x128xf32, #tpu.memory_space<vmem>> -> memref<1x128x128xf32, #tpu.memory_space<vmem>>
        %dma_start3A_320 = tpu.memref_squeeze %dma_start3A_319 : memref<1x128x128xf32, #tpu.memory_space<vmem>> -> memref<128x128xf32, #tpu.memory_space<vmem>>
        %dma_start3A_321 = arith.constant 0 : i32
        %dma_start3A_322 = tpu.memref_slice %arg8[%dma_start3A_314, %dma_start3A_321] : memref<4x128xi32, #tpu.memory_space<vmem>> -> memref<1x128xi32, #tpu.memory_space<vmem>>
        %dma_start3A_323 = tpu.memref_squeeze %dma_start3A_322 : memref<1x128xi32, #tpu.memory_space<vmem>> -> memref<128xi32, #tpu.memory_space<vmem>>
        %dma_start3A_324 = arith.constant 0 : i32
        %dma_start3A_325 = arith.constant 0 : i32
        %dma_start3A_326 = tpu.memref_slice %arg10[%dma_start3A_324, %dma_start3A_325] : memref<10112x128xf32, #tpu.memory_space<vmem_shared>> -> memref<10112x128xf32, #tpu.memory_space<vmem_shared>>
        %dma_start3A_327 = tpu.memref_slice %arg12[%dma_start3A_316] : memref<2x!tpu.dma_semaphore, #tpu.memory_space<semaphore_mem>> -> memref<1x!tpu.dma_semaphore, #tpu.memory_space<semaphore_mem>>
        %dma_start3A_328 = tpu.memref_squeeze %dma_start3A_327 : memref<1x!tpu.dma_semaphore, #tpu.memory_space<semaphore_mem>> -> memref<!tpu.dma_semaphore, #tpu.memory_space<semaphore_mem>>
        tpu.enqueue_indirect_dma source(%dma_start3A_326 : memref<10112x128xf32, #tpu.memory_space<vmem_shared>>) target(%dma_start3A_320 : memref<128x128xf32, #tpu.memory_space<vmem>>) offsets(%dma_start3A_323 : memref<128xi32, #tpu.memory_space<vmem>>) semaphore(%dma_start3A_328 : memref<!tpu.dma_semaphore, #tpu.memory_space<semaphore_mem>>)
      } else {
      }
      %add3A_205 = arith.constant 2 : i32
      %add3A_206 = arith.addi %add3A_197, %add3A_205 : i32
      %lt3A_207 = arith.constant 80 : i32
      %lt3A_208 = arith.cmpi slt, %add3A_206, %lt3A_207 : i32
      %convert_element_type3A_209 = arith.extui %lt3A_208 : i1 to i32
      %cond3A_210 = arith.constant 0 : i32
      %cond3A_211 = arith.cmpi ne, %convert_element_type3A_209, %cond3A_210 : i32
      scf.if %cond3A_211 {
        %add3A_296 = arith.constant 2 : i32
        %add3A_297 = arith.addi %add3A_197, %add3A_296 : i32
        %dma_start3A_298 = arith.constant 3 : i32
        %dma_start3A_299 = arith.constant 3 : i32
        %dma_start3A_300 = arith.constant 0 : i32
        %dma_start3A_301 = tpu.memref_slice %arg8[%dma_start3A_298, %dma_start3A_300] : memref<4x128xi32, #tpu.memory_space<vmem>> -> memref<1x128xi32, #tpu.memory_space<vmem>>
        %dma_start3A_302 = tpu.memref_squeeze %dma_start3A_301 : memref<1x128xi32, #tpu.memory_space<vmem>> -> memref<128xi32, #tpu.memory_space<vmem>>
        %dma_start3A_303 = arith.constant 0 : i32
        %dma_start3A_304 = tpu.memref_slice %arg2[%add3A, %add3A_297, %dma_start3A_303] : memref<32x80x128xi32, #tpu.memory_space<hbm>> -> memref<1x1x128xi32, #tpu.memory_space<hbm>>
        %dma_start3A_305 = tpu.memref_squeeze %dma_start3A_304 : memref<1x1x128xi32, #tpu.memory_space<hbm>> -> memref<128xi32, #tpu.memory_space<hbm>>
        %dma_start3A_306 = tpu.memref_slice %arg11[%dma_start3A_299] : memref<4x!tpu.dma_semaphore, #tpu.memory_space<semaphore_mem>> -> memref<1x!tpu.dma_semaphore, #tpu.memory_space<semaphore_mem>>
        %dma_start3A_307 = tpu.memref_squeeze %dma_start3A_306 : memref<1x!tpu.dma_semaphore, #tpu.memory_space<semaphore_mem>> -> memref<!tpu.dma_semaphore, #tpu.memory_space<semaphore_mem>>
        %dma_start3A_308 = arith.constant 0 : i32
        %dma_start3A_309 = tpu.memref_slice %arg8[%dma_start3A_298, %dma_start3A_308] : memref<4x128xi32, #tpu.memory_space<vmem>> -> memref<1x128xi32, #tpu.memory_space<vmem>>
        %dma_start3A_310 = tpu.memref_squeeze %dma_start3A_309 : memref<1x128xi32, #tpu.memory_space<vmem>> -> memref<128xi32, #tpu.memory_space<vmem>>
        %dma_start3A_311 = arith.constant 0 : i32
        %dma_start3A_312 = tpu.memref_slice %arg2[%add3A, %add3A_297, %dma_start3A_311] : memref<32x80x128xi32, #tpu.memory_space<hbm>> -> memref<1x1x128xi32, #tpu.memory_space<hbm>>
        %dma_start3A_313 = tpu.memref_squeeze %dma_start3A_312 : memref<1x1x128xi32, #tpu.memory_space<hbm>> -> memref<128xi32, #tpu.memory_space<hbm>>
        tpu.enqueue_dma source(%dma_start3A_313 : memref<128xi32, #tpu.memory_space<hbm>>) target(%dma_start3A_310 : memref<128xi32, #tpu.memory_space<vmem>>) target_semaphore(%dma_start3A_307 : memref<!tpu.dma_semaphore, #tpu.memory_space<semaphore_mem>>)
      } else {
      }
      %dma_wait3A_212 = arith.constant 1 : i32
      %dma_wait3A_213 = arith.constant 1 : i32
      %dma_wait3A_214 = arith.constant 1 : i32
      %dma_wait3A_215 = arith.constant 0 : i32
      %dma_wait3A_216 = arith.constant 0 : i32
      %dma_wait3A_217 = tpu.memref_slice %arg9[%dma_wait3A_213, %dma_wait3A_215, %dma_wait3A_216] : memref<2x128x128xf32, #tpu.memory_space<vmem>> -> memref<1x128x128xf32, #tpu.memory_space<vmem>>
      %dma_wait3A_218 = tpu.memref_squeeze %dma_wait3A_217 : memref<1x128x128xf32, #tpu.memory_space<vmem>> -> memref<128x128xf32, #tpu.memory_space<vmem>>
      %dma_wait3A_219 = arith.constant 0 : i32
      %dma_wait3A_220 = tpu.memref_slice %arg8[%dma_wait3A_212, %dma_wait3A_219] : memref<4x128xi32, #tpu.memory_space<vmem>> -> memref<1x128xi32, #tpu.memory_space<vmem>>
      %dma_wait3A_221 = tpu.memref_squeeze %dma_wait3A_220 : memref<1x128xi32, #tpu.memory_space<vmem>> -> memref<128xi32, #tpu.memory_space<vmem>>
      %dma_wait3A_222 = arith.constant 0 : i32
      %dma_wait3A_223 = arith.constant 0 : i32
      %dma_wait3A_224 = tpu.memref_slice %arg10[%dma_wait3A_222, %dma_wait3A_223] : memref<10112x128xf32, #tpu.memory_space<vmem_shared>> -> memref<10112x128xf32, #tpu.memory_space<vmem_shared>>
      %dma_wait3A_225 = tpu.memref_slice %arg12[%dma_wait3A_214] : memref<2x!tpu.dma_semaphore, #tpu.memory_space<semaphore_mem>> -> memref<1x!tpu.dma_semaphore, #tpu.memory_space<semaphore_mem>>
      %dma_wait3A_226 = tpu.memref_squeeze %dma_wait3A_225 : memref<1x!tpu.dma_semaphore, #tpu.memory_space<semaphore_mem>> -> memref<!tpu.dma_semaphore, #tpu.memory_space<semaphore_mem>>
      tpu.wait_indirect_dma semaphore(%dma_wait3A_226 : memref<!tpu.dma_semaphore, #tpu.memory_space<semaphore_mem>>) src(%dma_wait3A_224 : memref<10112x128xf32, #tpu.memory_space<vmem_shared>>) dst(%dma_wait3A_218 : memref<128x128xf32, #tpu.memory_space<vmem>>)
      %run_scoped3A_227 = arith.constant 1 : i32
      "tpu.region"() ({
        %run_scoped3A_296 = tpu.sem_alloc : memref<!tpu.dma_semaphore, #tpu.memory_space<semaphore_mem>>
        %dma_start3A_297 = arith.constant 0 : i32
        %dma_start3A_298 = arith.constant 0 : i32
        %dma_start3A_299 = tpu.memref_slice %arg9[%run_scoped3A_227, %dma_start3A_297, %dma_start3A_298] : memref<2x128x128xf32, #tpu.memory_space<vmem>> -> memref<1x128x128xf32, #tpu.memory_space<vmem>>
        %dma_start3A_300 = tpu.memref_squeeze %dma_start3A_299 : memref<1x128x128xf32, #tpu.memory_space<vmem>> -> memref<128x128xf32, #tpu.memory_space<vmem>>
        %dma_start3A_301 = arith.constant 0 : i32
        %dma_start3A_302 = arith.constant 0 : i32
        %dma_start3A_303 = tpu.memref_slice %arg7[%add3A, %add3A_197, %dma_start3A_301, %dma_start3A_302] : memref<32x80x128x128xf32, #tpu.memory_space<hbm>> -> memref<1x1x128x128xf32, #tpu.memory_space<hbm>>
        %dma_start3A_304 = tpu.memref_squeeze %dma_start3A_303 : memref<1x1x128x128xf32, #tpu.memory_space<hbm>> -> memref<128x128xf32, #tpu.memory_space<hbm>>
        %dma_start3A_305 = arith.constant 0 : i32
        %dma_start3A_306 = arith.constant 0 : i32
        %dma_start3A_307 = tpu.memref_slice %arg7[%add3A, %add3A_197, %dma_start3A_305, %dma_start3A_306] : memref<32x80x128x128xf32, #tpu.memory_space<hbm>> -> memref<1x1x128x128xf32, #tpu.memory_space<hbm>>
        %dma_start3A_308 = tpu.memref_squeeze %dma_start3A_307 : memref<1x1x128x128xf32, #tpu.memory_space<hbm>> -> memref<128x128xf32, #tpu.memory_space<hbm>>
        %dma_start3A_309 = arith.constant 0 : i32
        %dma_start3A_310 = arith.constant 0 : i32
        %dma_start3A_311 = tpu.memref_slice %arg9[%run_scoped3A_227, %dma_start3A_309, %dma_start3A_310] : memref<2x128x128xf32, #tpu.memory_space<vmem>> -> memref<1x128x128xf32, #tpu.memory_space<vmem>>
        %dma_start3A_312 = tpu.memref_squeeze %dma_start3A_311 : memref<1x128x128xf32, #tpu.memory_space<vmem>> -> memref<128x128xf32, #tpu.memory_space<vmem>>
        tpu.enqueue_dma source(%dma_start3A_312 : memref<128x128xf32, #tpu.memory_space<vmem>>) target(%dma_start3A_308 : memref<128x128xf32, #tpu.memory_space<hbm>>) target_semaphore(%run_scoped3A_296 : memref<!tpu.dma_semaphore, #tpu.memory_space<semaphore_mem>>)
        %dma_wait3A_313 = arith.constant 0 : i32
        %dma_wait3A_314 = arith.constant 0 : i32
        %dma_wait3A_315 = tpu.memref_slice %arg9[%run_scoped3A_227, %dma_wait3A_313, %dma_wait3A_314] : memref<2x128x128xf32, #tpu.memory_space<vmem>> -> memref<1x128x128xf32, #tpu.memory_space<vmem>>
        %dma_wait3A_316 = tpu.memref_squeeze %dma_wait3A_315 : memref<1x128x128xf32, #tpu.memory_space<vmem>> -> memref<128x128xf32, #tpu.memory_space<vmem>>
        %dma_wait3A_317 = arith.constant 0 : i32
        %dma_wait3A_318 = arith.constant 0 : i32
        %dma_wait3A_319 = tpu.memref_slice %arg7[%add3A, %add3A_197, %dma_wait3A_317, %dma_wait3A_318] : memref<32x80x128x128xf32, #tpu.memory_space<hbm>> -> memref<1x1x128x128xf32, #tpu.memory_space<hbm>>
        %dma_wait3A_320 = tpu.memref_squeeze %dma_wait3A_319 : memref<1x1x128x128xf32, #tpu.memory_space<hbm>> -> memref<128x128xf32, #tpu.memory_space<hbm>>
        %dma_wait3A_321 = arith.constant 0 : i32
        %dma_wait3A_322 = arith.constant 0 : i32
        %dma_wait3A_323 = tpu.memref_slice %arg7[%add3A, %add3A_197, %dma_wait3A_321, %dma_wait3A_322] : memref<32x80x128x128xf32, #tpu.memory_space<hbm>> -> memref<1x1x128x128xf32, #tpu.memory_space<hbm>>
        %dma_wait3A_324 = tpu.memref_squeeze %dma_wait3A_323 : memref<1x1x128x128xf32, #tpu.memory_space<hbm>> -> memref<128x128xf32, #tpu.memory_space<hbm>>
        %dma_wait3A_325 = arith.constant 0 : i32
        %dma_wait3A_326 = arith.constant 0 : i32
        %dma_wait3A_327 = tpu.memref_slice %arg9[%run_scoped3A_227, %dma_wait3A_325, %dma_wait3A_326] : memref<2x128x128xf32, #tpu.memory_space<vmem>> -> memref<1x128x128xf32, #tpu.memory_space<vmem>>
        %dma_wait3A_328 = tpu.memref_squeeze %dma_wait3A_327 : memref<1x128x128xf32, #tpu.memory_space<vmem>> -> memref<128x128xf32, #tpu.memory_space<vmem>>
        tpu.wait_dma2 semaphore(%run_scoped3A_296 : memref<!tpu.dma_semaphore, #tpu.memory_space<semaphore_mem>>) src(%dma_wait3A_328 : memref<128x128xf32, #tpu.memory_space<vmem>>) dst(%dma_wait3A_324 : memref<128x128xf32, #tpu.memory_space<hbm>>)
        tpu.yield
      }) : () -> ()
      %mul3A_228 = arith.constant 4 : i32
      %mul3A_229 = arith.muli %scan3A_163, %mul3A_228 : i32
      %add3A_230 = arith.constant 2 : i32
      %add3A_231 = arith.addi %mul3A_229, %add3A_230 : i32
      %add3A_232 = arith.constant 1 : i32
      %add3A_233 = arith.addi %add3A_231, %add3A_232 : i32
      %lt3A_234 = arith.constant 80 : i32
      %lt3A_235 = arith.cmpi slt, %add3A_233, %lt3A_234 : i32
      %convert_element_type3A_236 = arith.extui %lt3A_235 : i1 to i32
      %cond3A_237 = arith.constant 0 : i32
      %cond3A_238 = arith.cmpi ne, %convert_element_type3A_236, %cond3A_237 : i32
      scf.if %cond3A_238 {
        %add3A_296 = arith.constant 1 : i32
        %add3A_297 = arith.addi %add3A_231, %add3A_296 : i32
        %dma_wait3A_298 = arith.constant 3 : i32
        %dma_wait3A_299 = arith.constant 3 : i32
        %dma_wait3A_300 = arith.constant 0 : i32
        %dma_wait3A_301 = tpu.memref_slice %arg8[%dma_wait3A_298, %dma_wait3A_300] : memref<4x128xi32, #tpu.memory_space<vmem>> -> memref<1x128xi32, #tpu.memory_space<vmem>>
        %dma_wait3A_302 = tpu.memref_squeeze %dma_wait3A_301 : memref<1x128xi32, #tpu.memory_space<vmem>> -> memref<128xi32, #tpu.memory_space<vmem>>
        %dma_wait3A_303 = arith.constant 0 : i32
        %dma_wait3A_304 = tpu.memref_slice %arg2[%add3A, %add3A_297, %dma_wait3A_303] : memref<32x80x128xi32, #tpu.memory_space<hbm>> -> memref<1x1x128xi32, #tpu.memory_space<hbm>>
        %dma_wait3A_305 = tpu.memref_squeeze %dma_wait3A_304 : memref<1x1x128xi32, #tpu.memory_space<hbm>> -> memref<128xi32, #tpu.memory_space<hbm>>
        %dma_wait3A_306 = tpu.memref_slice %arg11[%dma_wait3A_299] : memref<4x!tpu.dma_semaphore, #tpu.memory_space<semaphore_mem>> -> memref<1x!tpu.dma_semaphore, #tpu.memory_space<semaphore_mem>>
        %dma_wait3A_307 = tpu.memref_squeeze %dma_wait3A_306 : memref<1x!tpu.dma_semaphore, #tpu.memory_space<semaphore_mem>> -> memref<!tpu.dma_semaphore, #tpu.memory_space<semaphore_mem>>
        %dma_wait3A_308 = arith.constant 0 : i32
        %dma_wait3A_309 = tpu.memref_slice %arg8[%dma_wait3A_298, %dma_wait3A_308] : memref<4x128xi32, #tpu.memory_space<vmem>> -> memref<1x128xi32, #tpu.memory_space<vmem>>
        %dma_wait3A_310 = tpu.memref_squeeze %dma_wait3A_309 : memref<1x128xi32, #tpu.memory_space<vmem>> -> memref<128xi32, #tpu.memory_space<vmem>>
        %dma_wait3A_311 = arith.constant 0 : i32
        %dma_wait3A_312 = tpu.memref_slice %arg2[%add3A, %add3A_297, %dma_wait3A_311] : memref<32x80x128xi32, #tpu.memory_space<hbm>> -> memref<1x1x128xi32, #tpu.memory_space<hbm>>
        %dma_wait3A_313 = tpu.memref_squeeze %dma_wait3A_312 : memref<1x1x128xi32, #tpu.memory_space<hbm>> -> memref<128xi32, #tpu.memory_space<hbm>>
        tpu.wait_dma2 semaphore(%dma_wait3A_307 : memref<!tpu.dma_semaphore, #tpu.memory_space<semaphore_mem>>) src(%dma_wait3A_313 : memref<128xi32, #tpu.memory_space<hbm>>) dst(%dma_wait3A_310 : memref<128xi32, #tpu.memory_space<vmem>>)
        %dma_start3A_314 = arith.constant 3 : i32
        %dma_start3A_315 = arith.constant 1 : i32
        %dma_start3A_316 = arith.constant 1 : i32
        %dma_start3A_317 = arith.constant 0 : i32
        %dma_start3A_318 = arith.constant 0 : i32
        %dma_start3A_319 = tpu.memref_slice %arg9[%dma_start3A_315, %dma_start3A_317, %dma_start3A_318] : memref<2x128x128xf32, #tpu.memory_space<vmem>> -> memref<1x128x128xf32, #tpu.memory_space<vmem>>
        %dma_start3A_320 = tpu.memref_squeeze %dma_start3A_319 : memref<1x128x128xf32, #tpu.memory_space<vmem>> -> memref<128x128xf32, #tpu.memory_space<vmem>>
        %dma_start3A_321 = arith.constant 0 : i32
        %dma_start3A_322 = tpu.memref_slice %arg8[%dma_start3A_314, %dma_start3A_321] : memref<4x128xi32, #tpu.memory_space<vmem>> -> memref<1x128xi32, #tpu.memory_space<vmem>>
        %dma_start3A_323 = tpu.memref_squeeze %dma_start3A_322 : memref<1x128xi32, #tpu.memory_space<vmem>> -> memref<128xi32, #tpu.memory_space<vmem>>
        %dma_start3A_324 = arith.constant 0 : i32
        %dma_start3A_325 = arith.constant 0 : i32
        %dma_start3A_326 = tpu.memref_slice %arg10[%dma_start3A_324, %dma_start3A_325] : memref<10112x128xf32, #tpu.memory_space<vmem_shared>> -> memref<10112x128xf32, #tpu.memory_space<vmem_shared>>
        %dma_start3A_327 = tpu.memref_slice %arg12[%dma_start3A_316] : memref<2x!tpu.dma_semaphore, #tpu.memory_space<semaphore_mem>> -> memref<1x!tpu.dma_semaphore, #tpu.memory_space<semaphore_mem>>
        %dma_start3A_328 = tpu.memref_squeeze %dma_start3A_327 : memref<1x!tpu.dma_semaphore, #tpu.memory_space<semaphore_mem>> -> memref<!tpu.dma_semaphore, #tpu.memory_space<semaphore_mem>>
        tpu.enqueue_indirect_dma source(%dma_start3A_326 : memref<10112x128xf32, #tpu.memory_space<vmem_shared>>) target(%dma_start3A_320 : memref<128x128xf32, #tpu.memory_space<vmem>>) offsets(%dma_start3A_323 : memref<128xi32, #tpu.memory_space<vmem>>) semaphore(%dma_start3A_328 : memref<!tpu.dma_semaphore, #tpu.memory_space<semaphore_mem>>)
      } else {
      }
      %add3A_239 = arith.constant 2 : i32
      %add3A_240 = arith.addi %add3A_231, %add3A_239 : i32
      %lt3A_241 = arith.constant 80 : i32
      %lt3A_242 = arith.cmpi slt, %add3A_240, %lt3A_241 : i32
      %convert_element_type3A_243 = arith.extui %lt3A_242 : i1 to i32
      %cond3A_244 = arith.constant 0 : i32
      %cond3A_245 = arith.cmpi ne, %convert_element_type3A_243, %cond3A_244 : i32
      scf.if %cond3A_245 {
        %add3A_296 = arith.constant 2 : i32
        %add3A_297 = arith.addi %add3A_231, %add3A_296 : i32
        %dma_start3A_298 = arith.constant 0 : i32
        %dma_start3A_299 = arith.constant 0 : i32
        %dma_start3A_300 = arith.constant 0 : i32
        %dma_start3A_301 = tpu.memref_slice %arg8[%dma_start3A_298, %dma_start3A_300] : memref<4x128xi32, #tpu.memory_space<vmem>> -> memref<1x128xi32, #tpu.memory_space<vmem>>
        %dma_start3A_302 = tpu.memref_squeeze %dma_start3A_301 : memref<1x128xi32, #tpu.memory_space<vmem>> -> memref<128xi32, #tpu.memory_space<vmem>>
        %dma_start3A_303 = arith.constant 0 : i32
        %dma_start3A_304 = tpu.memref_slice %arg2[%add3A, %add3A_297, %dma_start3A_303] : memref<32x80x128xi32, #tpu.memory_space<hbm>> -> memref<1x1x128xi32, #tpu.memory_space<hbm>>
        %dma_start3A_305 = tpu.memref_squeeze %dma_start3A_304 : memref<1x1x128xi32, #tpu.memory_space<hbm>> -> memref<128xi32, #tpu.memory_space<hbm>>
        %dma_start3A_306 = tpu.memref_slice %arg11[%dma_start3A_299] : memref<4x!tpu.dma_semaphore, #tpu.memory_space<semaphore_mem>> -> memref<1x!tpu.dma_semaphore, #tpu.memory_space<semaphore_mem>>
        %dma_start3A_307 = tpu.memref_squeeze %dma_start3A_306 : memref<1x!tpu.dma_semaphore, #tpu.memory_space<semaphore_mem>> -> memref<!tpu.dma_semaphore, #tpu.memory_space<semaphore_mem>>
        %dma_start3A_308 = arith.constant 0 : i32
        %dma_start3A_309 = tpu.memref_slice %arg8[%dma_start3A_298, %dma_start3A_308] : memref<4x128xi32, #tpu.memory_space<vmem>> -> memref<1x128xi32, #tpu.memory_space<vmem>>
        %dma_start3A_310 = tpu.memref_squeeze %dma_start3A_309 : memref<1x128xi32, #tpu.memory_space<vmem>> -> memref<128xi32, #tpu.memory_space<vmem>>
        %dma_start3A_311 = arith.constant 0 : i32
        %dma_start3A_312 = tpu.memref_slice %arg2[%add3A, %add3A_297, %dma_start3A_311] : memref<32x80x128xi32, #tpu.memory_space<hbm>> -> memref<1x1x128xi32, #tpu.memory_space<hbm>>
        %dma_start3A_313 = tpu.memref_squeeze %dma_start3A_312 : memref<1x1x128xi32, #tpu.memory_space<hbm>> -> memref<128xi32, #tpu.memory_space<hbm>>
        tpu.enqueue_dma source(%dma_start3A_313 : memref<128xi32, #tpu.memory_space<hbm>>) target(%dma_start3A_310 : memref<128xi32, #tpu.memory_space<vmem>>) target_semaphore(%dma_start3A_307 : memref<!tpu.dma_semaphore, #tpu.memory_space<semaphore_mem>>)
      } else {
      }
      %dma_wait3A_246 = arith.constant 2 : i32
      %dma_wait3A_247 = arith.constant 0 : i32
      %dma_wait3A_248 = arith.constant 0 : i32
      %dma_wait3A_249 = arith.constant 0 : i32
      %dma_wait3A_250 = arith.constant 0 : i32
      %dma_wait3A_251 = tpu.memref_slice %arg9[%dma_wait3A_247, %dma_wait3A_249, %dma_wait3A_250] : memref<2x128x128xf32, #tpu.memory_space<vmem>> -> memref<1x128x128xf32, #tpu.memory_space<vmem>>
      %dma_wait3A_252 = tpu.memref_squeeze %dma_wait3A_251 : memref<1x128x128xf32, #tpu.memory_space<vmem>> -> memref<128x128xf32, #tpu.memory_space<vmem>>
      %dma_wait3A_253 = arith.constant 0 : i32
      %dma_wait3A_254 = tpu.memref_slice %arg8[%dma_wait3A_246, %dma_wait3A_253] : memref<4x128xi32, #tpu.memory_space<vmem>> -> memref<1x128xi32, #tpu.memory_space<vmem>>
      %dma_wait3A_255 = tpu.memref_squeeze %dma_wait3A_254 : memref<1x128xi32, #tpu.memory_space<vmem>> -> memref<128xi32, #tpu.memory_space<vmem>>
      %dma_wait3A_256 = arith.constant 0 : i32
      %dma_wait3A_257 = arith.constant 0 : i32
      %dma_wait3A_258 = tpu.memref_slice %arg10[%dma_wait3A_256, %dma_wait3A_257] : memref<10112x128xf32, #tpu.memory_space<vmem_shared>> -> memref<10112x128xf32, #tpu.memory_space<vmem_shared>>
      %dma_wait3A_259 = tpu.memref_slice %arg12[%dma_wait3A_248] : memref<2x!tpu.dma_semaphore, #tpu.memory_space<semaphore_mem>> -> memref<1x!tpu.dma_semaphore, #tpu.memory_space<semaphore_mem>>
      %dma_wait3A_260 = tpu.memref_squeeze %dma_wait3A_259 : memref<1x!tpu.dma_semaphore, #tpu.memory_space<semaphore_mem>> -> memref<!tpu.dma_semaphore, #tpu.memory_space<semaphore_mem>>
      tpu.wait_indirect_dma semaphore(%dma_wait3A_260 : memref<!tpu.dma_semaphore, #tpu.memory_space<semaphore_mem>>) src(%dma_wait3A_258 : memref<10112x128xf32, #tpu.memory_space<vmem_shared>>) dst(%dma_wait3A_252 : memref<128x128xf32, #tpu.memory_space<vmem>>)
      %run_scoped3A_261 = arith.constant 0 : i32
      "tpu.region"() ({
        %run_scoped3A_296 = tpu.sem_alloc : memref<!tpu.dma_semaphore, #tpu.memory_space<semaphore_mem>>
        %dma_start3A_297 = arith.constant 0 : i32
        %dma_start3A_298 = arith.constant 0 : i32
        %dma_start3A_299 = tpu.memref_slice %arg9[%run_scoped3A_261, %dma_start3A_297, %dma_start3A_298] : memref<2x128x128xf32, #tpu.memory_space<vmem>> -> memref<1x128x128xf32, #tpu.memory_space<vmem>>
        %dma_start3A_300 = tpu.memref_squeeze %dma_start3A_299 : memref<1x128x128xf32, #tpu.memory_space<vmem>> -> memref<128x128xf32, #tpu.memory_space<vmem>>
        %dma_start3A_301 = arith.constant 0 : i32
        %dma_start3A_302 = arith.constant 0 : i32
        %dma_start3A_303 = tpu.memref_slice %arg7[%add3A, %add3A_231, %dma_start3A_301, %dma_start3A_302] : memref<32x80x128x128xf32, #tpu.memory_space<hbm>> -> memref<1x1x128x128xf32, #tpu.memory_space<hbm>>
        %dma_start3A_304 = tpu.memref_squeeze %dma_start3A_303 : memref<1x1x128x128xf32, #tpu.memory_space<hbm>> -> memref<128x128xf32, #tpu.memory_space<hbm>>
        %dma_start3A_305 = arith.constant 0 : i32
        %dma_start3A_306 = arith.constant 0 : i32
        %dma_start3A_307 = tpu.memref_slice %arg7[%add3A, %add3A_231, %dma_start3A_305, %dma_start3A_306] : memref<32x80x128x128xf32, #tpu.memory_space<hbm>> -> memref<1x1x128x128xf32, #tpu.memory_space<hbm>>
        %dma_start3A_308 = tpu.memref_squeeze %dma_start3A_307 : memref<1x1x128x128xf32, #tpu.memory_space<hbm>> -> memref<128x128xf32, #tpu.memory_space<hbm>>
        %dma_start3A_309 = arith.constant 0 : i32
        %dma_start3A_310 = arith.constant 0 : i32
        %dma_start3A_311 = tpu.memref_slice %arg9[%run_scoped3A_261, %dma_start3A_309, %dma_start3A_310] : memref<2x128x128xf32, #tpu.memory_space<vmem>> -> memref<1x128x128xf32, #tpu.memory_space<vmem>>
        %dma_start3A_312 = tpu.memref_squeeze %dma_start3A_311 : memref<1x128x128xf32, #tpu.memory_space<vmem>> -> memref<128x128xf32, #tpu.memory_space<vmem>>
        tpu.enqueue_dma source(%dma_start3A_312 : memref<128x128xf32, #tpu.memory_space<vmem>>) target(%dma_start3A_308 : memref<128x128xf32, #tpu.memory_space<hbm>>) target_semaphore(%run_scoped3A_296 : memref<!tpu.dma_semaphore, #tpu.memory_space<semaphore_mem>>)
        %dma_wait3A_313 = arith.constant 0 : i32
        %dma_wait3A_314 = arith.constant 0 : i32
        %dma_wait3A_315 = tpu.memref_slice %arg9[%run_scoped3A_261, %dma_wait3A_313, %dma_wait3A_314] : memref<2x128x128xf32, #tpu.memory_space<vmem>> -> memref<1x128x128xf32, #tpu.memory_space<vmem>>
        %dma_wait3A_316 = tpu.memref_squeeze %dma_wait3A_315 : memref<1x128x128xf32, #tpu.memory_space<vmem>> -> memref<128x128xf32, #tpu.memory_space<vmem>>
        %dma_wait3A_317 = arith.constant 0 : i32
        %dma_wait3A_318 = arith.constant 0 : i32
        %dma_wait3A_319 = tpu.memref_slice %arg7[%add3A, %add3A_231, %dma_wait3A_317, %dma_wait3A_318] : memref<32x80x128x128xf32, #tpu.memory_space<hbm>> -> memref<1x1x128x128xf32, #tpu.memory_space<hbm>>
        %dma_wait3A_320 = tpu.memref_squeeze %dma_wait3A_319 : memref<1x1x128x128xf32, #tpu.memory_space<hbm>> -> memref<128x128xf32, #tpu.memory_space<hbm>>
        %dma_wait3A_321 = arith.constant 0 : i32
        %dma_wait3A_322 = arith.constant 0 : i32
        %dma_wait3A_323 = tpu.memref_slice %arg7[%add3A, %add3A_231, %dma_wait3A_321, %dma_wait3A_322] : memref<32x80x128x128xf32, #tpu.memory_space<hbm>> -> memref<1x1x128x128xf32, #tpu.memory_space<hbm>>
        %dma_wait3A_324 = tpu.memref_squeeze %dma_wait3A_323 : memref<1x1x128x128xf32, #tpu.memory_space<hbm>> -> memref<128x128xf32, #tpu.memory_space<hbm>>
        %dma_wait3A_325 = arith.constant 0 : i32
        %dma_wait3A_326 = arith.constant 0 : i32
        %dma_wait3A_327 = tpu.memref_slice %arg9[%run_scoped3A_261, %dma_wait3A_325, %dma_wait3A_326] : memref<2x128x128xf32, #tpu.memory_space<vmem>> -> memref<1x128x128xf32, #tpu.memory_space<vmem>>
        %dma_wait3A_328 = tpu.memref_squeeze %dma_wait3A_327 : memref<1x128x128xf32, #tpu.memory_space<vmem>> -> memref<128x128xf32, #tpu.memory_space<vmem>>
        tpu.wait_dma2 semaphore(%run_scoped3A_296 : memref<!tpu.dma_semaphore, #tpu.memory_space<semaphore_mem>>) src(%dma_wait3A_328 : memref<128x128xf32, #tpu.memory_space<vmem>>) dst(%dma_wait3A_324 : memref<128x128xf32, #tpu.memory_space<hbm>>)
        tpu.yield
      }) : () -> ()
      %mul3A_262 = arith.constant 4 : i32
      %mul3A_263 = arith.muli %scan3A_163, %mul3A_262 : i32
      %add3A_264 = arith.constant 3 : i32
      %add3A_265 = arith.addi %mul3A_263, %add3A_264 : i32
      %add3A_266 = arith.constant 1 : i32
      %add3A_267 = arith.addi %add3A_265, %add3A_266 : i32
      %lt3A_268 = arith.constant 80 : i32
      %lt3A_269 = arith.cmpi slt, %add3A_267, %lt3A_268 : i32
      %convert_element_type3A_270 = arith.extui %lt3A_269 : i1 to i32
      %cond3A_271 = arith.constant 0 : i32
      %cond3A_272 = arith.cmpi ne, %convert_element_type3A_270, %cond3A_271 : i32
      scf.if %cond3A_272 {
        %add3A_296 = arith.constant 1 : i32
        %add3A_297 = arith.addi %add3A_265, %add3A_296 : i32
        %dma_wait3A_298 = arith.constant 0 : i32
        %dma_wait3A_299 = arith.constant 0 : i32
        %dma_wait3A_300 = arith.constant 0 : i32
        %dma_wait3A_301 = tpu.memref_slice %arg8[%dma_wait3A_298, %dma_wait3A_300] : memref<4x128xi32, #tpu.memory_space<vmem>> -> memref<1x128xi32, #tpu.memory_space<vmem>>
        %dma_wait3A_302 = tpu.memref_squeeze %dma_wait3A_301 : memref<1x128xi32, #tpu.memory_space<vmem>> -> memref<128xi32, #tpu.memory_space<vmem>>
        %dma_wait3A_303 = arith.constant 0 : i32
        %dma_wait3A_304 = tpu.memref_slice %arg2[%add3A, %add3A_297, %dma_wait3A_303] : memref<32x80x128xi32, #tpu.memory_space<hbm>> -> memref<1x1x128xi32, #tpu.memory_space<hbm>>
        %dma_wait3A_305 = tpu.memref_squeeze %dma_wait3A_304 : memref<1x1x128xi32, #tpu.memory_space<hbm>> -> memref<128xi32, #tpu.memory_space<hbm>>
        %dma_wait3A_306 = tpu.memref_slice %arg11[%dma_wait3A_299] : memref<4x!tpu.dma_semaphore, #tpu.memory_space<semaphore_mem>> -> memref<1x!tpu.dma_semaphore, #tpu.memory_space<semaphore_mem>>
        %dma_wait3A_307 = tpu.memref_squeeze %dma_wait3A_306 : memref<1x!tpu.dma_semaphore, #tpu.memory_space<semaphore_mem>> -> memref<!tpu.dma_semaphore, #tpu.memory_space<semaphore_mem>>
        %dma_wait3A_308 = arith.constant 0 : i32
        %dma_wait3A_309 = tpu.memref_slice %arg8[%dma_wait3A_298, %dma_wait3A_308] : memref<4x128xi32, #tpu.memory_space<vmem>> -> memref<1x128xi32, #tpu.memory_space<vmem>>
        %dma_wait3A_310 = tpu.memref_squeeze %dma_wait3A_309 : memref<1x128xi32, #tpu.memory_space<vmem>> -> memref<128xi32, #tpu.memory_space<vmem>>
        %dma_wait3A_311 = arith.constant 0 : i32
        %dma_wait3A_312 = tpu.memref_slice %arg2[%add3A, %add3A_297, %dma_wait3A_311] : memref<32x80x128xi32, #tpu.memory_space<hbm>> -> memref<1x1x128xi32, #tpu.memory_space<hbm>>
        %dma_wait3A_313 = tpu.memref_squeeze %dma_wait3A_312 : memref<1x1x128xi32, #tpu.memory_space<hbm>> -> memref<128xi32, #tpu.memory_space<hbm>>
        tpu.wait_dma2 semaphore(%dma_wait3A_307 : memref<!tpu.dma_semaphore, #tpu.memory_space<semaphore_mem>>) src(%dma_wait3A_313 : memref<128xi32, #tpu.memory_space<hbm>>) dst(%dma_wait3A_310 : memref<128xi32, #tpu.memory_space<vmem>>)
        %dma_start3A_314 = arith.constant 0 : i32
        %dma_start3A_315 = arith.constant 0 : i32
        %dma_start3A_316 = arith.constant 0 : i32
        %dma_start3A_317 = arith.constant 0 : i32
        %dma_start3A_318 = arith.constant 0 : i32
        %dma_start3A_319 = tpu.memref_slice %arg9[%dma_start3A_315, %dma_start3A_317, %dma_start3A_318] : memref<2x128x128xf32, #tpu.memory_space<vmem>> -> memref<1x128x128xf32, #tpu.memory_space<vmem>>
        %dma_start3A_320 = tpu.memref_squeeze %dma_start3A_319 : memref<1x128x128xf32, #tpu.memory_space<vmem>> -> memref<128x128xf32, #tpu.memory_space<vmem>>
        %dma_start3A_321 = arith.constant 0 : i32
        %dma_start3A_322 = tpu.memref_slice %arg8[%dma_start3A_314, %dma_start3A_321] : memref<4x128xi32, #tpu.memory_space<vmem>> -> memref<1x128xi32, #tpu.memory_space<vmem>>
        %dma_start3A_323 = tpu.memref_squeeze %dma_start3A_322 : memref<1x128xi32, #tpu.memory_space<vmem>> -> memref<128xi32, #tpu.memory_space<vmem>>
        %dma_start3A_324 = arith.constant 0 : i32
        %dma_start3A_325 = arith.constant 0 : i32
        %dma_start3A_326 = tpu.memref_slice %arg10[%dma_start3A_324, %dma_start3A_325] : memref<10112x128xf32, #tpu.memory_space<vmem_shared>> -> memref<10112x128xf32, #tpu.memory_space<vmem_shared>>
        %dma_start3A_327 = tpu.memref_slice %arg12[%dma_start3A_316] : memref<2x!tpu.dma_semaphore, #tpu.memory_space<semaphore_mem>> -> memref<1x!tpu.dma_semaphore, #tpu.memory_space<semaphore_mem>>
        %dma_start3A_328 = tpu.memref_squeeze %dma_start3A_327 : memref<1x!tpu.dma_semaphore, #tpu.memory_space<semaphore_mem>> -> memref<!tpu.dma_semaphore, #tpu.memory_space<semaphore_mem>>
        tpu.enqueue_indirect_dma source(%dma_start3A_326 : memref<10112x128xf32, #tpu.memory_space<vmem_shared>>) target(%dma_start3A_320 : memref<128x128xf32, #tpu.memory_space<vmem>>) offsets(%dma_start3A_323 : memref<128xi32, #tpu.memory_space<vmem>>) semaphore(%dma_start3A_328 : memref<!tpu.dma_semaphore, #tpu.memory_space<semaphore_mem>>)
      } else {
      }
      %add3A_273 = arith.constant 2 : i32
      %add3A_274 = arith.addi %add3A_265, %add3A_273 : i32
      %lt3A_275 = arith.constant 80 : i32
      %lt3A_276 = arith.cmpi slt, %add3A_274, %lt3A_275 : i32
      %convert_element_type3A_277 = arith.extui %lt3A_276 : i1 to i32
      %cond3A_278 = arith.constant 0 : i32
      %cond3A_279 = arith.cmpi ne, %convert_element_type3A_277, %cond3A_278 : i32
      scf.if %cond3A_279 {
        %add3A_296 = arith.constant 2 : i32
        %add3A_297 = arith.addi %add3A_265, %add3A_296 : i32
        %dma_start3A_298 = arith.constant 1 : i32
        %dma_start3A_299 = arith.constant 1 : i32
        %dma_start3A_300 = arith.constant 0 : i32
        %dma_start3A_301 = tpu.memref_slice %arg8[%dma_start3A_298, %dma_start3A_300] : memref<4x128xi32, #tpu.memory_space<vmem>> -> memref<1x128xi32, #tpu.memory_space<vmem>>
        %dma_start3A_302 = tpu.memref_squeeze %dma_start3A_301 : memref<1x128xi32, #tpu.memory_space<vmem>> -> memref<128xi32, #tpu.memory_space<vmem>>
        %dma_start3A_303 = arith.constant 0 : i32
        %dma_start3A_304 = tpu.memref_slice %arg2[%add3A, %add3A_297, %dma_start3A_303] : memref<32x80x128xi32, #tpu.memory_space<hbm>> -> memref<1x1x128xi32, #tpu.memory_space<hbm>>
        %dma_start3A_305 = tpu.memref_squeeze %dma_start3A_304 : memref<1x1x128xi32, #tpu.memory_space<hbm>> -> memref<128xi32, #tpu.memory_space<hbm>>
        %dma_start3A_306 = tpu.memref_slice %arg11[%dma_start3A_299] : memref<4x!tpu.dma_semaphore, #tpu.memory_space<semaphore_mem>> -> memref<1x!tpu.dma_semaphore, #tpu.memory_space<semaphore_mem>>
        %dma_start3A_307 = tpu.memref_squeeze %dma_start3A_306 : memref<1x!tpu.dma_semaphore, #tpu.memory_space<semaphore_mem>> -> memref<!tpu.dma_semaphore, #tpu.memory_space<semaphore_mem>>
        %dma_start3A_308 = arith.constant 0 : i32
        %dma_start3A_309 = tpu.memref_slice %arg8[%dma_start3A_298, %dma_start3A_308] : memref<4x128xi32, #tpu.memory_space<vmem>> -> memref<1x128xi32, #tpu.memory_space<vmem>>
        %dma_start3A_310 = tpu.memref_squeeze %dma_start3A_309 : memref<1x128xi32, #tpu.memory_space<vmem>> -> memref<128xi32, #tpu.memory_space<vmem>>
        %dma_start3A_311 = arith.constant 0 : i32
        %dma_start3A_312 = tpu.memref_slice %arg2[%add3A, %add3A_297, %dma_start3A_311] : memref<32x80x128xi32, #tpu.memory_space<hbm>> -> memref<1x1x128xi32, #tpu.memory_space<hbm>>
        %dma_start3A_313 = tpu.memref_squeeze %dma_start3A_312 : memref<1x1x128xi32, #tpu.memory_space<hbm>> -> memref<128xi32, #tpu.memory_space<hbm>>
        tpu.enqueue_dma source(%dma_start3A_313 : memref<128xi32, #tpu.memory_space<hbm>>) target(%dma_start3A_310 : memref<128xi32, #tpu.memory_space<vmem>>) target_semaphore(%dma_start3A_307 : memref<!tpu.dma_semaphore, #tpu.memory_space<semaphore_mem>>)
      } else {
      }
      %dma_wait3A_280 = arith.constant 3 : i32
      %dma_wait3A_281 = arith.constant 1 : i32
      %dma_wait3A_282 = arith.constant 1 : i32
      %dma_wait3A_283 = arith.constant 0 : i32
      %dma_wait3A_284 = arith.constant 0 : i32
      %dma_wait3A_285 = tpu.memref_slice %arg9[%dma_wait3A_281, %dma_wait3A_283, %dma_wait3A_284] : memref<2x128x128xf32, #tpu.memory_space<vmem>> -> memref<1x128x128xf32, #tpu.memory_space<vmem>>
      %dma_wait3A_286 = tpu.memref_squeeze %dma_wait3A_285 : memref<1x128x128xf32, #tpu.memory_space<vmem>> -> memref<128x128xf32, #tpu.memory_space<vmem>>
      %dma_wait3A_287 = arith.constant 0 : i32
      %dma_wait3A_288 = tpu.memref_slice %arg8[%dma_wait3A_280, %dma_wait3A_287] : memref<4x128xi32, #tpu.memory_space<vmem>> -> memref<1x128xi32, #tpu.memory_space<vmem>>
      %dma_wait3A_289 = tpu.memref_squeeze %dma_wait3A_288 : memref<1x128xi32, #tpu.memory_space<vmem>> -> memref<128xi32, #tpu.memory_space<vmem>>
      %dma_wait3A_290 = arith.constant 0 : i32
      %dma_wait3A_291 = arith.constant 0 : i32
      %dma_wait3A_292 = tpu.memref_slice %arg10[%dma_wait3A_290, %dma_wait3A_291] : memref<10112x128xf32, #tpu.memory_space<vmem_shared>> -> memref<10112x128xf32, #tpu.memory_space<vmem_shared>>
      %dma_wait3A_293 = tpu.memref_slice %arg12[%dma_wait3A_282] : memref<2x!tpu.dma_semaphore, #tpu.memory_space<semaphore_mem>> -> memref<1x!tpu.dma_semaphore, #tpu.memory_space<semaphore_mem>>
      %dma_wait3A_294 = tpu.memref_squeeze %dma_wait3A_293 : memref<1x!tpu.dma_semaphore, #tpu.memory_space<semaphore_mem>> -> memref<!tpu.dma_semaphore, #tpu.memory_space<semaphore_mem>>
      tpu.wait_indirect_dma semaphore(%dma_wait3A_294 : memref<!tpu.dma_semaphore, #tpu.memory_space<semaphore_mem>>) src(%dma_wait3A_292 : memref<10112x128xf32, #tpu.memory_space<vmem_shared>>) dst(%dma_wait3A_286 : memref<128x128xf32, #tpu.memory_space<vmem>>)
      %run_scoped3A_295 = arith.constant 1 : i32
      "tpu.region"() ({
        %run_scoped3A_296 = tpu.sem_alloc : memref<!tpu.dma_semaphore, #tpu.memory_space<semaphore_mem>>
        %dma_start3A_297 = arith.constant 0 : i32
        %dma_start3A_298 = arith.constant 0 : i32
        %dma_start3A_299 = tpu.memref_slice %arg9[%run_scoped3A_295, %dma_start3A_297, %dma_start3A_298] : memref<2x128x128xf32, #tpu.memory_space<vmem>> -> memref<1x128x128xf32, #tpu.memory_space<vmem>>
        %dma_start3A_300 = tpu.memref_squeeze %dma_start3A_299 : memref<1x128x128xf32, #tpu.memory_space<vmem>> -> memref<128x128xf32, #tpu.memory_space<vmem>>
        %dma_start3A_301 = arith.constant 0 : i32
        %dma_start3A_302 = arith.constant 0 : i32
        %dma_start3A_303 = tpu.memref_slice %arg7[%add3A, %add3A_265, %dma_start3A_301, %dma_start3A_302] : memref<32x80x128x128xf32, #tpu.memory_space<hbm>> -> memref<1x1x128x128xf32, #tpu.memory_space<hbm>>
        %dma_start3A_304 = tpu.memref_squeeze %dma_start3A_303 : memref<1x1x128x128xf32, #tpu.memory_space<hbm>> -> memref<128x128xf32, #tpu.memory_space<hbm>>
        %dma_start3A_305 = arith.constant 0 : i32
        %dma_start3A_306 = arith.constant 0 : i32
        %dma_start3A_307 = tpu.memref_slice %arg7[%add3A, %add3A_265, %dma_start3A_305, %dma_start3A_306] : memref<32x80x128x128xf32, #tpu.memory_space<hbm>> -> memref<1x1x128x128xf32, #tpu.memory_space<hbm>>
        %dma_start3A_308 = tpu.memref_squeeze %dma_start3A_307 : memref<1x1x128x128xf32, #tpu.memory_space<hbm>> -> memref<128x128xf32, #tpu.memory_space<hbm>>
        %dma_start3A_309 = arith.constant 0 : i32
        %dma_start3A_310 = arith.constant 0 : i32
        %dma_start3A_311 = tpu.memref_slice %arg9[%run_scoped3A_295, %dma_start3A_309, %dma_start3A_310] : memref<2x128x128xf32, #tpu.memory_space<vmem>> -> memref<1x128x128xf32, #tpu.memory_space<vmem>>
        %dma_start3A_312 = tpu.memref_squeeze %dma_start3A_311 : memref<1x128x128xf32, #tpu.memory_space<vmem>> -> memref<128x128xf32, #tpu.memory_space<vmem>>
        tpu.enqueue_dma source(%dma_start3A_312 : memref<128x128xf32, #tpu.memory_space<vmem>>) target(%dma_start3A_308 : memref<128x128xf32, #tpu.memory_space<hbm>>) target_semaphore(%run_scoped3A_296 : memref<!tpu.dma_semaphore, #tpu.memory_space<semaphore_mem>>)
        %dma_wait3A_313 = arith.constant 0 : i32
        %dma_wait3A_314 = arith.constant 0 : i32
        %dma_wait3A_315 = tpu.memref_slice %arg9[%run_scoped3A_295, %dma_wait3A_313, %dma_wait3A_314] : memref<2x128x128xf32, #tpu.memory_space<vmem>> -> memref<1x128x128xf32, #tpu.memory_space<vmem>>
        %dma_wait3A_316 = tpu.memref_squeeze %dma_wait3A_315 : memref<1x128x128xf32, #tpu.memory_space<vmem>> -> memref<128x128xf32, #tpu.memory_space<vmem>>
        %dma_wait3A_317 = arith.constant 0 : i32
        %dma_wait3A_318 = arith.constant 0 : i32
        %dma_wait3A_319 = tpu.memref_slice %arg7[%add3A, %add3A_265, %dma_wait3A_317, %dma_wait3A_318] : memref<32x80x128x128xf32, #tpu.memory_space<hbm>> -> memref<1x1x128x128xf32, #tpu.memory_space<hbm>>
        %dma_wait3A_320 = tpu.memref_squeeze %dma_wait3A_319 : memref<1x1x128x128xf32, #tpu.memory_space<hbm>> -> memref<128x128xf32, #tpu.memory_space<hbm>>
        %dma_wait3A_321 = arith.constant 0 : i32
        %dma_wait3A_322 = arith.constant 0 : i32
        %dma_wait3A_323 = tpu.memref_slice %arg7[%add3A, %add3A_265, %dma_wait3A_321, %dma_wait3A_322] : memref<32x80x128x128xf32, #tpu.memory_space<hbm>> -> memref<1x1x128x128xf32, #tpu.memory_space<hbm>>
        %dma_wait3A_324 = tpu.memref_squeeze %dma_wait3A_323 : memref<1x1x128x128xf32, #tpu.memory_space<hbm>> -> memref<128x128xf32, #tpu.memory_space<hbm>>
        %dma_wait3A_325 = arith.constant 0 : i32
        %dma_wait3A_326 = arith.constant 0 : i32
        %dma_wait3A_327 = tpu.memref_slice %arg9[%run_scoped3A_295, %dma_wait3A_325, %dma_wait3A_326] : memref<2x128x128xf32, #tpu.memory_space<vmem>> -> memref<1x128x128xf32, #tpu.memory_space<vmem>>
        %dma_wait3A_328 = tpu.memref_squeeze %dma_wait3A_327 : memref<1x128x128xf32, #tpu.memory_space<vmem>> -> memref<128x128xf32, #tpu.memory_space<vmem>>
        tpu.wait_dma2 semaphore(%run_scoped3A_296 : memref<!tpu.dma_semaphore, #tpu.memory_space<semaphore_mem>>) src(%dma_wait3A_328 : memref<128x128xf32, #tpu.memory_space<vmem>>) dst(%dma_wait3A_324 : memref<128x128xf32, #tpu.memory_space<hbm>>)
        tpu.yield
      }) : () -> ()
    }
    %scan3A_73 = arith.constant 20 : i32
    %barrier3A_74 = arith.constant 0 : index
    tpu.barrier barrier_id(%barrier3A_74)
    %mul3A_75 = arith.constant 632 : i32
    %mul3A_76 = arith.muli %arg1, %mul3A_75 : i32
    %mul3A_77 = arith.constant 632 : i32
    %mul3A_78 = arith.muli %arg1, %mul3A_77 : i32
    "tpu.region"() ({
      %run_scoped3A = tpu.sem_alloc : memref<!tpu.dma_semaphore, #tpu.memory_space<semaphore_mem>>
      %dma_start3A_163 = arith.constant 0 : i32
      %dma_start3A_164 = tpu.memref_slice %arg10[%mul3A_78, %dma_start3A_163] : memref<10112x128xf32, #tpu.memory_space<vmem_shared>> -> memref<632x128xf32, #tpu.memory_space<vmem_shared>>
      %dma_start3A_165 = arith.constant 0 : i32
      %dma_start3A_166 = tpu.memref_slice %arg5[%mul3A_76, %dma_start3A_165] : memref<10112x128xf32, #tpu.memory_space<hbm>> -> memref<632x128xf32, #tpu.memory_space<hbm>>
      tpu.enqueue_dma source(%dma_start3A_166 : memref<632x128xf32, #tpu.memory_space<hbm>>) target(%dma_start3A_164 : memref<632x128xf32, #tpu.memory_space<vmem_shared>>) target_semaphore(%run_scoped3A : memref<!tpu.dma_semaphore, #tpu.memory_space<semaphore_mem>>)
      %dma_wait3A_167 = arith.constant 0 : i32
      %dma_wait3A_168 = tpu.memref_slice %arg10[%mul3A_78, %dma_wait3A_167] : memref<10112x128xf32, #tpu.memory_space<vmem_shared>> -> memref<632x128xf32, #tpu.memory_space<vmem_shared>>
      %dma_wait3A_169 = arith.constant 0 : i32
      %dma_wait3A_170 = tpu.memref_slice %arg5[%mul3A_76, %dma_wait3A_169] : memref<10112x128xf32, #tpu.memory_space<hbm>> -> memref<632x128xf32, #tpu.memory_space<hbm>>
      tpu.wait_dma2 semaphore(%run_scoped3A : memref<!tpu.dma_semaphore, #tpu.memory_space<semaphore_mem>>) src(%dma_wait3A_170 : memref<632x128xf32, #tpu.memory_space<hbm>>) dst(%dma_wait3A_168 : memref<632x128xf32, #tpu.memory_space<vmem_shared>>)
      tpu.yield
    }) : () -> ()
    %dma_start3A_79 = arith.constant 0 : i32
    %dma_start3A_80 = arith.constant 0 : i32
    %dma_start3A_81 = arith.constant 0 : i32
    %dma_start3A_82 = arith.constant 0 : i32
    %dma_start3A_83 = tpu.memref_slice %arg8[%dma_start3A_80, %dma_start3A_82] : memref<4x128xi32, #tpu.memory_space<vmem>> -> memref<1x128xi32, #tpu.memory_space<vmem>>
    %dma_start3A_84 = tpu.memref_squeeze %dma_start3A_83 : memref<1x128xi32, #tpu.memory_space<vmem>> -> memref<128xi32, #tpu.memory_space<vmem>>
    %dma_start3A_85 = arith.constant 0 : i32
    %dma_start3A_86 = tpu.memref_slice %arg3[%add3A, %dma_start3A_79, %dma_start3A_85] : memref<32x80x128xi32, #tpu.memory_space<hbm>> -> memref<1x1x128xi32, #tpu.memory_space<hbm>>
    %dma_start3A_87 = tpu.memref_squeeze %dma_start3A_86 : memref<1x1x128xi32, #tpu.memory_space<hbm>> -> memref<128xi32, #tpu.memory_space<hbm>>
    %dma_start3A_88 = tpu.memref_slice %arg11[%dma_start3A_81] : memref<4x!tpu.dma_semaphore, #tpu.memory_space<semaphore_mem>> -> memref<1x!tpu.dma_semaphore, #tpu.memory_space<semaphore_mem>>
    %dma_start3A_89 = tpu.memref_squeeze %dma_start3A_88 : memref<1x!tpu.dma_semaphore, #tpu.memory_space<semaphore_mem>> -> memref<!tpu.dma_semaphore, #tpu.memory_space<semaphore_mem>>
    %dma_start3A_90 = arith.constant 0 : i32
    %dma_start3A_91 = tpu.memref_slice %arg8[%dma_start3A_80, %dma_start3A_90] : memref<4x128xi32, #tpu.memory_space<vmem>> -> memref<1x128xi32, #tpu.memory_space<vmem>>
    %dma_start3A_92 = tpu.memref_squeeze %dma_start3A_91 : memref<1x128xi32, #tpu.memory_space<vmem>> -> memref<128xi32, #tpu.memory_space<vmem>>
    %dma_start3A_93 = arith.constant 0 : i32
    %dma_start3A_94 = tpu.memref_slice %arg3[%add3A, %dma_start3A_79, %dma_start3A_93] : memref<32x80x128xi32, #tpu.memory_space<hbm>> -> memref<1x1x128xi32, #tpu.memory_space<hbm>>
    %dma_start3A_95 = tpu.memref_squeeze %dma_start3A_94 : memref<1x1x128xi32, #tpu.memory_space<hbm>> -> memref<128xi32, #tpu.memory_space<hbm>>
    tpu.enqueue_dma source(%dma_start3A_95 : memref<128xi32, #tpu.memory_space<hbm>>) target(%dma_start3A_92 : memref<128xi32, #tpu.memory_space<vmem>>) target_semaphore(%dma_start3A_89 : memref<!tpu.dma_semaphore, #tpu.memory_space<semaphore_mem>>)
    %dma_start3A_96 = arith.constant 1 : i32
    %dma_start3A_97 = arith.constant 1 : i32
    %dma_start3A_98 = arith.constant 1 : i32
    %dma_start3A_99 = arith.constant 0 : i32
    %dma_start3A_100 = tpu.memref_slice %arg8[%dma_start3A_97, %dma_start3A_99] : memref<4x128xi32, #tpu.memory_space<vmem>> -> memref<1x128xi32, #tpu.memory_space<vmem>>
    %dma_start3A_101 = tpu.memref_squeeze %dma_start3A_100 : memref<1x128xi32, #tpu.memory_space<vmem>> -> memref<128xi32, #tpu.memory_space<vmem>>
    %dma_start3A_102 = arith.constant 0 : i32
    %dma_start3A_103 = tpu.memref_slice %arg3[%add3A, %dma_start3A_96, %dma_start3A_102] : memref<32x80x128xi32, #tpu.memory_space<hbm>> -> memref<1x1x128xi32, #tpu.memory_space<hbm>>
    %dma_start3A_104 = tpu.memref_squeeze %dma_start3A_103 : memref<1x1x128xi32, #tpu.memory_space<hbm>> -> memref<128xi32, #tpu.memory_space<hbm>>
    %dma_start3A_105 = tpu.memref_slice %arg11[%dma_start3A_98] : memref<4x!tpu.dma_semaphore, #tpu.memory_space<semaphore_mem>> -> memref<1x!tpu.dma_semaphore, #tpu.memory_space<semaphore_mem>>
    %dma_start3A_106 = tpu.memref_squeeze %dma_start3A_105 : memref<1x!tpu.dma_semaphore, #tpu.memory_space<semaphore_mem>> -> memref<!tpu.dma_semaphore, #tpu.memory_space<semaphore_mem>>
    %dma_start3A_107 = arith.constant 0 : i32
    %dma_start3A_108 = tpu.memref_slice %arg8[%dma_start3A_97, %dma_start3A_107] : memref<4x128xi32, #tpu.memory_space<vmem>> -> memref<1x128xi32, #tpu.memory_space<vmem>>
    %dma_start3A_109 = tpu.memref_squeeze %dma_start3A_108 : memref<1x128xi32, #tpu.memory_space<vmem>> -> memref<128xi32, #tpu.memory_space<vmem>>
    %dma_start3A_110 = arith.constant 0 : i32
    %dma_start3A_111 = tpu.memref_slice %arg3[%add3A, %dma_start3A_96, %dma_start3A_110] : memref<32x80x128xi32, #tpu.memory_space<hbm>> -> memref<1x1x128xi32, #tpu.memory_space<hbm>>
    %dma_start3A_112 = tpu.memref_squeeze %dma_start3A_111 : memref<1x1x128xi32, #tpu.memory_space<hbm>> -> memref<128xi32, #tpu.memory_space<hbm>>
    tpu.enqueue_dma source(%dma_start3A_112 : memref<128xi32, #tpu.memory_space<hbm>>) target(%dma_start3A_109 : memref<128xi32, #tpu.memory_space<vmem>>) target_semaphore(%dma_start3A_106 : memref<!tpu.dma_semaphore, #tpu.memory_space<semaphore_mem>>)
    %dma_start3A_113 = arith.constant 0 : i32
    %dma_start3A_114 = arith.constant 0 : i32
    %dma_start3A_115 = arith.constant 0 : i32
    %dma_start3A_116 = arith.constant 0 : i32
    %dma_start3A_117 = arith.constant 0 : i32
    %dma_start3A_118 = tpu.memref_slice %arg9[%dma_start3A_114, %dma_start3A_116, %dma_start3A_117] : memref<2x128x128xf32, #tpu.memory_space<vmem>> -> memref<1x128x128xf32, #tpu.memory_space<vmem>>
    %dma_start3A_119 = tpu.memref_squeeze %dma_start3A_118 : memref<1x128x128xf32, #tpu.memory_space<vmem>> -> memref<128x128xf32, #tpu.memory_space<vmem>>
    %dma_start3A_120 = arith.constant 0 : i32
    %dma_start3A_121 = arith.constant 0 : i32
    %dma_start3A_122 = tpu.memref_slice %arg7[%add3A, %dma_start3A_113, %dma_start3A_120, %dma_start3A_121] : memref<32x80x128x128xf32, #tpu.memory_space<hbm>> -> memref<1x1x128x128xf32, #tpu.memory_space<hbm>>
    %dma_start3A_123 = tpu.memref_squeeze %dma_start3A_122 : memref<1x1x128x128xf32, #tpu.memory_space<hbm>> -> memref<128x128xf32, #tpu.memory_space<hbm>>
    %dma_start3A_124 = tpu.memref_slice %arg12[%dma_start3A_115] : memref<2x!tpu.dma_semaphore, #tpu.memory_space<semaphore_mem>> -> memref<1x!tpu.dma_semaphore, #tpu.memory_space<semaphore_mem>>
    %dma_start3A_125 = tpu.memref_squeeze %dma_start3A_124 : memref<1x!tpu.dma_semaphore, #tpu.memory_space<semaphore_mem>> -> memref<!tpu.dma_semaphore, #tpu.memory_space<semaphore_mem>>
    %dma_start3A_126 = arith.constant 0 : i32
    %dma_start3A_127 = arith.constant 0 : i32
    %dma_start3A_128 = tpu.memref_slice %arg9[%dma_start3A_114, %dma_start3A_126, %dma_start3A_127] : memref<2x128x128xf32, #tpu.memory_space<vmem>> -> memref<1x128x128xf32, #tpu.memory_space<vmem>>
    %dma_start3A_129 = tpu.memref_squeeze %dma_start3A_128 : memref<1x128x128xf32, #tpu.memory_space<vmem>> -> memref<128x128xf32, #tpu.memory_space<vmem>>
    %dma_start3A_130 = arith.constant 0 : i32
    %dma_start3A_131 = arith.constant 0 : i32
    %dma_start3A_132 = tpu.memref_slice %arg7[%add3A, %dma_start3A_113, %dma_start3A_130, %dma_start3A_131] : memref<32x80x128x128xf32, #tpu.memory_space<hbm>> -> memref<1x1x128x128xf32, #tpu.memory_space<hbm>>
    %dma_start3A_133 = tpu.memref_squeeze %dma_start3A_132 : memref<1x1x128x128xf32, #tpu.memory_space<hbm>> -> memref<128x128xf32, #tpu.memory_space<hbm>>
    tpu.enqueue_dma source(%dma_start3A_133 : memref<128x128xf32, #tpu.memory_space<hbm>>) target(%dma_start3A_129 : memref<128x128xf32, #tpu.memory_space<vmem>>) target_semaphore(%dma_start3A_125 : memref<!tpu.dma_semaphore, #tpu.memory_space<semaphore_mem>>)
    %barrier3A_134 = arith.constant 0 : index
    tpu.barrier barrier_id(%barrier3A_134)
    %dma_wait3A_135 = arith.constant 0 : i32
    %dma_wait3A_136 = arith.constant 0 : i32
    %dma_wait3A_137 = arith.constant 0 : i32
    %dma_wait3A_138 = arith.constant 0 : i32
    %dma_wait3A_139 = tpu.memref_slice %arg8[%dma_wait3A_136, %dma_wait3A_138] : memref<4x128xi32, #tpu.memory_space<vmem>> -> memref<1x128xi32, #tpu.memory_space<vmem>>
    %dma_wait3A_140 = tpu.memref_squeeze %dma_wait3A_139 : memref<1x128xi32, #tpu.memory_space<vmem>> -> memref<128xi32, #tpu.memory_space<vmem>>
    %dma_wait3A_141 = arith.constant 0 : i32
    %dma_wait3A_142 = tpu.memref_slice %arg3[%add3A, %dma_wait3A_135, %dma_wait3A_141] : memref<32x80x128xi32, #tpu.memory_space<hbm>> -> memref<1x1x128xi32, #tpu.memory_space<hbm>>
    %dma_wait3A_143 = tpu.memref_squeeze %dma_wait3A_142 : memref<1x1x128xi32, #tpu.memory_space<hbm>> -> memref<128xi32, #tpu.memory_space<hbm>>
    %dma_wait3A_144 = tpu.memref_slice %arg11[%dma_wait3A_137] : memref<4x!tpu.dma_semaphore, #tpu.memory_space<semaphore_mem>> -> memref<1x!tpu.dma_semaphore, #tpu.memory_space<semaphore_mem>>
    %dma_wait3A_145 = tpu.memref_squeeze %dma_wait3A_144 : memref<1x!tpu.dma_semaphore, #tpu.memory_space<semaphore_mem>> -> memref<!tpu.dma_semaphore, #tpu.memory_space<semaphore_mem>>
    %dma_wait3A_146 = arith.constant 0 : i32
    %dma_wait3A_147 = tpu.memref_slice %arg8[%dma_wait3A_136, %dma_wait3A_146] : memref<4x128xi32, #tpu.memory_space<vmem>> -> memref<1x128xi32, #tpu.memory_space<vmem>>
    %dma_wait3A_148 = tpu.memref_squeeze %dma_wait3A_147 : memref<1x128xi32, #tpu.memory_space<vmem>> -> memref<128xi32, #tpu.memory_space<vmem>>
    %dma_wait3A_149 = arith.constant 0 : i32
    %dma_wait3A_150 = tpu.memref_slice %arg3[%add3A, %dma_wait3A_135, %dma_wait3A_149] : memref<32x80x128xi32, #tpu.memory_space<hbm>> -> memref<1x1x128xi32, #tpu.memory_space<hbm>>
    %dma_wait3A_151 = tpu.memref_squeeze %dma_wait3A_150 : memref<1x1x128xi32, #tpu.memory_space<hbm>> -> memref<128xi32, #tpu.memory_space<hbm>>
    tpu.wait_dma2 semaphore(%dma_wait3A_145 : memref<!tpu.dma_semaphore, #tpu.memory_space<semaphore_mem>>) src(%dma_wait3A_151 : memref<128xi32, #tpu.memory_space<hbm>>) dst(%dma_wait3A_148 : memref<128xi32, #tpu.memory_space<vmem>>)
    %scan3A_152 = arith.constant 0 : i32
    %scan3A_153 = arith.constant 0 : i32
    %scan3A_154 = arith.constant 20 : i32
    %scan3A_155 = arith.addi %scan3A_153, %scan3A_154 : i32
    %scan3A_156 = arith.constant 1 : i32
    scf.for %scan3A_163 = %scan3A_153 to %scan3A_155 step %scan3A_156  : i32 {
      %mul3A_164 = arith.constant 4 : i32
      %mul3A_165 = arith.muli %scan3A_163, %mul3A_164 : i32
      %add3A_166 = arith.constant 0 : i32
      %add3A_167 = arith.addi %mul3A_165, %add3A_166 : i32
      %add3A_168 = arith.constant 1 : i32
      %add3A_169 = arith.addi %add3A_167, %add3A_168 : i32
      %lt3A = arith.constant 80 : i32
      %lt3A_170 = arith.cmpi slt, %add3A_169, %lt3A : i32
      %convert_element_type3A = arith.extui %lt3A_170 : i1 to i32
      %cond3A = arith.constant 0 : i32
      %cond3A_171 = arith.cmpi ne, %convert_element_type3A, %cond3A : i32
      scf.if %cond3A_171 {
        %add3A_320 = arith.constant 1 : i32
        %add3A_321 = arith.addi %add3A_167, %add3A_320 : i32
        %dma_wait3A_322 = arith.constant 1 : i32
        %dma_wait3A_323 = arith.constant 1 : i32
        %dma_wait3A_324 = arith.constant 0 : i32
        %dma_wait3A_325 = tpu.memref_slice %arg8[%dma_wait3A_322, %dma_wait3A_324] : memref<4x128xi32, #tpu.memory_space<vmem>> -> memref<1x128xi32, #tpu.memory_space<vmem>>
        %dma_wait3A_326 = tpu.memref_squeeze %dma_wait3A_325 : memref<1x128xi32, #tpu.memory_space<vmem>> -> memref<128xi32, #tpu.memory_space<vmem>>
        %dma_wait3A_327 = arith.constant 0 : i32
        %dma_wait3A_328 = tpu.memref_slice %arg3[%add3A, %add3A_321, %dma_wait3A_327] : memref<32x80x128xi32, #tpu.memory_space<hbm>> -> memref<1x1x128xi32, #tpu.memory_space<hbm>>
        %dma_wait3A_329 = tpu.memref_squeeze %dma_wait3A_328 : memref<1x1x128xi32, #tpu.memory_space<hbm>> -> memref<128xi32, #tpu.memory_space<hbm>>
        %dma_wait3A_330 = tpu.memref_slice %arg11[%dma_wait3A_323] : memref<4x!tpu.dma_semaphore, #tpu.memory_space<semaphore_mem>> -> memref<1x!tpu.dma_semaphore, #tpu.memory_space<semaphore_mem>>
        %dma_wait3A_331 = tpu.memref_squeeze %dma_wait3A_330 : memref<1x!tpu.dma_semaphore, #tpu.memory_space<semaphore_mem>> -> memref<!tpu.dma_semaphore, #tpu.memory_space<semaphore_mem>>
        %dma_wait3A_332 = arith.constant 0 : i32
        %dma_wait3A_333 = tpu.memref_slice %arg8[%dma_wait3A_322, %dma_wait3A_332] : memref<4x128xi32, #tpu.memory_space<vmem>> -> memref<1x128xi32, #tpu.memory_space<vmem>>
        %dma_wait3A_334 = tpu.memref_squeeze %dma_wait3A_333 : memref<1x128xi32, #tpu.memory_space<vmem>> -> memref<128xi32, #tpu.memory_space<vmem>>
        %dma_wait3A_335 = arith.constant 0 : i32
        %dma_wait3A_336 = tpu.memref_slice %arg3[%add3A, %add3A_321, %dma_wait3A_335] : memref<32x80x128xi32, #tpu.memory_space<hbm>> -> memref<1x1x128xi32, #tpu.memory_space<hbm>>
        %dma_wait3A_337 = tpu.memref_squeeze %dma_wait3A_336 : memref<1x1x128xi32, #tpu.memory_space<hbm>> -> memref<128xi32, #tpu.memory_space<hbm>>
        tpu.wait_dma2 semaphore(%dma_wait3A_331 : memref<!tpu.dma_semaphore, #tpu.memory_space<semaphore_mem>>) src(%dma_wait3A_337 : memref<128xi32, #tpu.memory_space<hbm>>) dst(%dma_wait3A_334 : memref<128xi32, #tpu.memory_space<vmem>>)
        %add3A_338 = arith.constant 1 : i32
        %add3A_339 = arith.addi %add3A_167, %add3A_338 : i32
        %dma_start3A_340 = arith.constant 1 : i32
        %dma_start3A_341 = arith.constant 1 : i32
        %dma_start3A_342 = arith.constant 0 : i32
        %dma_start3A_343 = arith.constant 0 : i32
        %dma_start3A_344 = tpu.memref_slice %arg9[%dma_start3A_340, %dma_start3A_342, %dma_start3A_343] : memref<2x128x128xf32, #tpu.memory_space<vmem>> -> memref<1x128x128xf32, #tpu.memory_space<vmem>>
        %dma_start3A_345 = tpu.memref_squeeze %dma_start3A_344 : memref<1x128x128xf32, #tpu.memory_space<vmem>> -> memref<128x128xf32, #tpu.memory_space<vmem>>
        %dma_start3A_346 = arith.constant 0 : i32
        %dma_start3A_347 = arith.constant 0 : i32
        %dma_start3A_348 = tpu.memref_slice %arg7[%add3A, %add3A_339, %dma_start3A_346, %dma_start3A_347] : memref<32x80x128x128xf32, #tpu.memory_space<hbm>> -> memref<1x1x128x128xf32, #tpu.memory_space<hbm>>
        %dma_start3A_349 = tpu.memref_squeeze %dma_start3A_348 : memref<1x1x128x128xf32, #tpu.memory_space<hbm>> -> memref<128x128xf32, #tpu.memory_space<hbm>>
        %dma_start3A_350 = tpu.memref_slice %arg12[%dma_start3A_341] : memref<2x!tpu.dma_semaphore, #tpu.memory_space<semaphore_mem>> -> memref<1x!tpu.dma_semaphore, #tpu.memory_space<semaphore_mem>>
        %dma_start3A_351 = tpu.memref_squeeze %dma_start3A_350 : memref<1x!tpu.dma_semaphore, #tpu.memory_space<semaphore_mem>> -> memref<!tpu.dma_semaphore, #tpu.memory_space<semaphore_mem>>
        %dma_start3A_352 = arith.constant 0 : i32
        %dma_start3A_353 = arith.constant 0 : i32
        %dma_start3A_354 = tpu.memref_slice %arg9[%dma_start3A_340, %dma_start3A_352, %dma_start3A_353] : memref<2x128x128xf32, #tpu.memory_space<vmem>> -> memref<1x128x128xf32, #tpu.memory_space<vmem>>
        %dma_start3A_355 = tpu.memref_squeeze %dma_start3A_354 : memref<1x128x128xf32, #tpu.memory_space<vmem>> -> memref<128x128xf32, #tpu.memory_space<vmem>>
        %dma_start3A_356 = arith.constant 0 : i32
        %dma_start3A_357 = arith.constant 0 : i32
        %dma_start3A_358 = tpu.memref_slice %arg7[%add3A, %add3A_339, %dma_start3A_356, %dma_start3A_357] : memref<32x80x128x128xf32, #tpu.memory_space<hbm>> -> memref<1x1x128x128xf32, #tpu.memory_space<hbm>>
        %dma_start3A_359 = tpu.memref_squeeze %dma_start3A_358 : memref<1x1x128x128xf32, #tpu.memory_space<hbm>> -> memref<128x128xf32, #tpu.memory_space<hbm>>
        tpu.enqueue_dma source(%dma_start3A_359 : memref<128x128xf32, #tpu.memory_space<hbm>>) target(%dma_start3A_355 : memref<128x128xf32, #tpu.memory_space<vmem>>) target_semaphore(%dma_start3A_351 : memref<!tpu.dma_semaphore, #tpu.memory_space<semaphore_mem>>)
      } else {
      }
      %add3A_172 = arith.constant 2 : i32
      %add3A_173 = arith.addi %add3A_167, %add3A_172 : i32
      %lt3A_174 = arith.constant 80 : i32
      %lt3A_175 = arith.cmpi slt, %add3A_173, %lt3A_174 : i32
      %convert_element_type3A_176 = arith.extui %lt3A_175 : i1 to i32
      %cond3A_177 = arith.constant 0 : i32
      %cond3A_178 = arith.cmpi ne, %convert_element_type3A_176, %cond3A_177 : i32
      scf.if %cond3A_178 {
        %add3A_320 = arith.constant 2 : i32
        %add3A_321 = arith.addi %add3A_167, %add3A_320 : i32
        %dma_start3A_322 = arith.constant 2 : i32
        %dma_start3A_323 = arith.constant 2 : i32
        %dma_start3A_324 = arith.constant 0 : i32
        %dma_start3A_325 = tpu.memref_slice %arg8[%dma_start3A_322, %dma_start3A_324] : memref<4x128xi32, #tpu.memory_space<vmem>> -> memref<1x128xi32, #tpu.memory_space<vmem>>
        %dma_start3A_326 = tpu.memref_squeeze %dma_start3A_325 : memref<1x128xi32, #tpu.memory_space<vmem>> -> memref<128xi32, #tpu.memory_space<vmem>>
        %dma_start3A_327 = arith.constant 0 : i32
        %dma_start3A_328 = tpu.memref_slice %arg3[%add3A, %add3A_321, %dma_start3A_327] : memref<32x80x128xi32, #tpu.memory_space<hbm>> -> memref<1x1x128xi32, #tpu.memory_space<hbm>>
        %dma_start3A_329 = tpu.memref_squeeze %dma_start3A_328 : memref<1x1x128xi32, #tpu.memory_space<hbm>> -> memref<128xi32, #tpu.memory_space<hbm>>
        %dma_start3A_330 = tpu.memref_slice %arg11[%dma_start3A_323] : memref<4x!tpu.dma_semaphore, #tpu.memory_space<semaphore_mem>> -> memref<1x!tpu.dma_semaphore, #tpu.memory_space<semaphore_mem>>
        %dma_start3A_331 = tpu.memref_squeeze %dma_start3A_330 : memref<1x!tpu.dma_semaphore, #tpu.memory_space<semaphore_mem>> -> memref<!tpu.dma_semaphore, #tpu.memory_space<semaphore_mem>>
        %dma_start3A_332 = arith.constant 0 : i32
        %dma_start3A_333 = tpu.memref_slice %arg8[%dma_start3A_322, %dma_start3A_332] : memref<4x128xi32, #tpu.memory_space<vmem>> -> memref<1x128xi32, #tpu.memory_space<vmem>>
        %dma_start3A_334 = tpu.memref_squeeze %dma_start3A_333 : memref<1x128xi32, #tpu.memory_space<vmem>> -> memref<128xi32, #tpu.memory_space<vmem>>
        %dma_start3A_335 = arith.constant 0 : i32
        %dma_start3A_336 = tpu.memref_slice %arg3[%add3A, %add3A_321, %dma_start3A_335] : memref<32x80x128xi32, #tpu.memory_space<hbm>> -> memref<1x1x128xi32, #tpu.memory_space<hbm>>
        %dma_start3A_337 = tpu.memref_squeeze %dma_start3A_336 : memref<1x1x128xi32, #tpu.memory_space<hbm>> -> memref<128xi32, #tpu.memory_space<hbm>>
        tpu.enqueue_dma source(%dma_start3A_337 : memref<128xi32, #tpu.memory_space<hbm>>) target(%dma_start3A_334 : memref<128xi32, #tpu.memory_space<vmem>>) target_semaphore(%dma_start3A_331 : memref<!tpu.dma_semaphore, #tpu.memory_space<semaphore_mem>>)
      } else {
      }
      %dma_wait3A_179 = arith.constant 0 : i32
      %dma_wait3A_180 = arith.constant 0 : i32
      %dma_wait3A_181 = arith.constant 0 : i32
      %dma_wait3A_182 = arith.constant 0 : i32
      %dma_wait3A_183 = tpu.memref_slice %arg9[%dma_wait3A_179, %dma_wait3A_181, %dma_wait3A_182] : memref<2x128x128xf32, #tpu.memory_space<vmem>> -> memref<1x128x128xf32, #tpu.memory_space<vmem>>
      %dma_wait3A_184 = tpu.memref_squeeze %dma_wait3A_183 : memref<1x128x128xf32, #tpu.memory_space<vmem>> -> memref<128x128xf32, #tpu.memory_space<vmem>>
      %dma_wait3A_185 = arith.constant 0 : i32
      %dma_wait3A_186 = arith.constant 0 : i32
      %dma_wait3A_187 = tpu.memref_slice %arg7[%add3A, %add3A_167, %dma_wait3A_185, %dma_wait3A_186] : memref<32x80x128x128xf32, #tpu.memory_space<hbm>> -> memref<1x1x128x128xf32, #tpu.memory_space<hbm>>
      %dma_wait3A_188 = tpu.memref_squeeze %dma_wait3A_187 : memref<1x1x128x128xf32, #tpu.memory_space<hbm>> -> memref<128x128xf32, #tpu.memory_space<hbm>>
      %dma_wait3A_189 = tpu.memref_slice %arg12[%dma_wait3A_180] : memref<2x!tpu.dma_semaphore, #tpu.memory_space<semaphore_mem>> -> memref<1x!tpu.dma_semaphore, #tpu.memory_space<semaphore_mem>>
      %dma_wait3A_190 = tpu.memref_squeeze %dma_wait3A_189 : memref<1x!tpu.dma_semaphore, #tpu.memory_space<semaphore_mem>> -> memref<!tpu.dma_semaphore, #tpu.memory_space<semaphore_mem>>
      %dma_wait3A_191 = arith.constant 0 : i32
      %dma_wait3A_192 = arith.constant 0 : i32
      %dma_wait3A_193 = tpu.memref_slice %arg9[%dma_wait3A_179, %dma_wait3A_191, %dma_wait3A_192] : memref<2x128x128xf32, #tpu.memory_space<vmem>> -> memref<1x128x128xf32, #tpu.memory_space<vmem>>
      %dma_wait3A_194 = tpu.memref_squeeze %dma_wait3A_193 : memref<1x128x128xf32, #tpu.memory_space<vmem>> -> memref<128x128xf32, #tpu.memory_space<vmem>>
      %dma_wait3A_195 = arith.constant 0 : i32
      %dma_wait3A_196 = arith.constant 0 : i32
      %dma_wait3A_197 = tpu.memref_slice %arg7[%add3A, %add3A_167, %dma_wait3A_195, %dma_wait3A_196] : memref<32x80x128x128xf32, #tpu.memory_space<hbm>> -> memref<1x1x128x128xf32, #tpu.memory_space<hbm>>
      %dma_wait3A_198 = tpu.memref_squeeze %dma_wait3A_197 : memref<1x1x128x128xf32, #tpu.memory_space<hbm>> -> memref<128x128xf32, #tpu.memory_space<hbm>>
      tpu.wait_dma2 semaphore(%dma_wait3A_190 : memref<!tpu.dma_semaphore, #tpu.memory_space<semaphore_mem>>) src(%dma_wait3A_198 : memref<128x128xf32, #tpu.memory_space<hbm>>) dst(%dma_wait3A_194 : memref<128x128xf32, #tpu.memory_space<vmem>>)
      %run_scoped3A = arith.constant 0 : i32
      %run_scoped3A_199 = arith.constant 0 : i32
      "tpu.region"() ({
        %run_scoped3A_320 = tpu.sem_alloc : memref<!tpu.dma_semaphore, #tpu.memory_space<semaphore_mem>>
        %dma_start3A_321 = arith.constant 0 : i32
        %dma_start3A_322 = arith.constant 0 : i32
        %dma_start3A_323 = tpu.memref_slice %arg9[%run_scoped3A, %dma_start3A_321, %dma_start3A_322] : memref<2x128x128xf32, #tpu.memory_space<vmem>> -> memref<1x128x128xf32, #tpu.memory_space<vmem>>
        %dma_start3A_324 = tpu.memref_squeeze %dma_start3A_323 : memref<1x128x128xf32, #tpu.memory_space<vmem>> -> memref<128x128xf32, #tpu.memory_space<vmem>>
        %dma_start3A_325 = arith.constant 0 : i32
        %dma_start3A_326 = tpu.memref_slice %arg8[%run_scoped3A_199, %dma_start3A_325] : memref<4x128xi32, #tpu.memory_space<vmem>> -> memref<1x128xi32, #tpu.memory_space<vmem>>
        %dma_start3A_327 = tpu.memref_squeeze %dma_start3A_326 : memref<1x128xi32, #tpu.memory_space<vmem>> -> memref<128xi32, #tpu.memory_space<vmem>>
        %dma_start3A_328 = arith.constant 0 : i32
        %dma_start3A_329 = arith.constant 0 : i32
        %dma_start3A_330 = tpu.memref_slice %arg10[%dma_start3A_328, %dma_start3A_329] : memref<10112x128xf32, #tpu.memory_space<vmem_shared>> -> memref<10112x128xf32, #tpu.memory_space<vmem_shared>>
        tpu.enqueue_indirect_dma source(%dma_start3A_324 : memref<128x128xf32, #tpu.memory_space<vmem>>) target(%dma_start3A_330 : memref<10112x128xf32, #tpu.memory_space<vmem_shared>>) offsets(%dma_start3A_327 : memref<128xi32, #tpu.memory_space<vmem>>) semaphore(%run_scoped3A_320 : memref<!tpu.dma_semaphore, #tpu.memory_space<semaphore_mem>>) {add = true}
        %dma_wait3A_331 = arith.constant 0 : i32
        %dma_wait3A_332 = arith.constant 0 : i32
        %dma_wait3A_333 = tpu.memref_slice %arg9[%run_scoped3A, %dma_wait3A_331, %dma_wait3A_332] : memref<2x128x128xf32, #tpu.memory_space<vmem>> -> memref<1x128x128xf32, #tpu.memory_space<vmem>>
        %dma_wait3A_334 = tpu.memref_squeeze %dma_wait3A_333 : memref<1x128x128xf32, #tpu.memory_space<vmem>> -> memref<128x128xf32, #tpu.memory_space<vmem>>
        %dma_wait3A_335 = arith.constant 0 : i32
        %dma_wait3A_336 = tpu.memref_slice %arg8[%run_scoped3A_199, %dma_wait3A_335] : memref<4x128xi32, #tpu.memory_space<vmem>> -> memref<1x128xi32, #tpu.memory_space<vmem>>
        %dma_wait3A_337 = tpu.memref_squeeze %dma_wait3A_336 : memref<1x128xi32, #tpu.memory_space<vmem>> -> memref<128xi32, #tpu.memory_space<vmem>>
        %dma_wait3A_338 = arith.constant 0 : i32
        %dma_wait3A_339 = arith.constant 0 : i32
        %dma_wait3A_340 = tpu.memref_slice %arg10[%dma_wait3A_338, %dma_wait3A_339] : memref<10112x128xf32, #tpu.memory_space<vmem_shared>> -> memref<10112x128xf32, #tpu.memory_space<vmem_shared>>
        tpu.wait_indirect_dma semaphore(%run_scoped3A_320 : memref<!tpu.dma_semaphore, #tpu.memory_space<semaphore_mem>>) src(%dma_wait3A_334 : memref<128x128xf32, #tpu.memory_space<vmem>>) dst(%dma_wait3A_340 : memref<10112x128xf32, #tpu.memory_space<vmem_shared>>)
        tpu.yield
      }) : () -> ()
      %mul3A_200 = arith.constant 4 : i32
      %mul3A_201 = arith.muli %scan3A_163, %mul3A_200 : i32
      %add3A_202 = arith.constant 1 : i32
      %add3A_203 = arith.addi %mul3A_201, %add3A_202 : i32
      %add3A_204 = arith.constant 1 : i32
      %add3A_205 = arith.addi %add3A_203, %add3A_204 : i32
      %lt3A_206 = arith.constant 80 : i32
      %lt3A_207 = arith.cmpi slt, %add3A_205, %lt3A_206 : i32
      %convert_element_type3A_208 = arith.extui %lt3A_207 : i1 to i32
      %cond3A_209 = arith.constant 0 : i32
      %cond3A_210 = arith.cmpi ne, %convert_element_type3A_208, %cond3A_209 : i32
      scf.if %cond3A_210 {
        %add3A_320 = arith.constant 1 : i32
        %add3A_321 = arith.addi %add3A_203, %add3A_320 : i32
        %dma_wait3A_322 = arith.constant 2 : i32
        %dma_wait3A_323 = arith.constant 2 : i32
        %dma_wait3A_324 = arith.constant 0 : i32
        %dma_wait3A_325 = tpu.memref_slice %arg8[%dma_wait3A_322, %dma_wait3A_324] : memref<4x128xi32, #tpu.memory_space<vmem>> -> memref<1x128xi32, #tpu.memory_space<vmem>>
        %dma_wait3A_326 = tpu.memref_squeeze %dma_wait3A_325 : memref<1x128xi32, #tpu.memory_space<vmem>> -> memref<128xi32, #tpu.memory_space<vmem>>
        %dma_wait3A_327 = arith.constant 0 : i32
        %dma_wait3A_328 = tpu.memref_slice %arg3[%add3A, %add3A_321, %dma_wait3A_327] : memref<32x80x128xi32, #tpu.memory_space<hbm>> -> memref<1x1x128xi32, #tpu.memory_space<hbm>>
        %dma_wait3A_329 = tpu.memref_squeeze %dma_wait3A_328 : memref<1x1x128xi32, #tpu.memory_space<hbm>> -> memref<128xi32, #tpu.memory_space<hbm>>
        %dma_wait3A_330 = tpu.memref_slice %arg11[%dma_wait3A_323] : memref<4x!tpu.dma_semaphore, #tpu.memory_space<semaphore_mem>> -> memref<1x!tpu.dma_semaphore, #tpu.memory_space<semaphore_mem>>
        %dma_wait3A_331 = tpu.memref_squeeze %dma_wait3A_330 : memref<1x!tpu.dma_semaphore, #tpu.memory_space<semaphore_mem>> -> memref<!tpu.dma_semaphore, #tpu.memory_space<semaphore_mem>>
        %dma_wait3A_332 = arith.constant 0 : i32
        %dma_wait3A_333 = tpu.memref_slice %arg8[%dma_wait3A_322, %dma_wait3A_332] : memref<4x128xi32, #tpu.memory_space<vmem>> -> memref<1x128xi32, #tpu.memory_space<vmem>>
        %dma_wait3A_334 = tpu.memref_squeeze %dma_wait3A_333 : memref<1x128xi32, #tpu.memory_space<vmem>> -> memref<128xi32, #tpu.memory_space<vmem>>
        %dma_wait3A_335 = arith.constant 0 : i32
        %dma_wait3A_336 = tpu.memref_slice %arg3[%add3A, %add3A_321, %dma_wait3A_335] : memref<32x80x128xi32, #tpu.memory_space<hbm>> -> memref<1x1x128xi32, #tpu.memory_space<hbm>>
        %dma_wait3A_337 = tpu.memref_squeeze %dma_wait3A_336 : memref<1x1x128xi32, #tpu.memory_space<hbm>> -> memref<128xi32, #tpu.memory_space<hbm>>
        tpu.wait_dma2 semaphore(%dma_wait3A_331 : memref<!tpu.dma_semaphore, #tpu.memory_space<semaphore_mem>>) src(%dma_wait3A_337 : memref<128xi32, #tpu.memory_space<hbm>>) dst(%dma_wait3A_334 : memref<128xi32, #tpu.memory_space<vmem>>)
        %add3A_338 = arith.constant 1 : i32
        %add3A_339 = arith.addi %add3A_203, %add3A_338 : i32
        %dma_start3A_340 = arith.constant 0 : i32
        %dma_start3A_341 = arith.constant 0 : i32
        %dma_start3A_342 = arith.constant 0 : i32
        %dma_start3A_343 = arith.constant 0 : i32
        %dma_start3A_344 = tpu.memref_slice %arg9[%dma_start3A_340, %dma_start3A_342, %dma_start3A_343] : memref<2x128x128xf32, #tpu.memory_space<vmem>> -> memref<1x128x128xf32, #tpu.memory_space<vmem>>
        %dma_start3A_345 = tpu.memref_squeeze %dma_start3A_344 : memref<1x128x128xf32, #tpu.memory_space<vmem>> -> memref<128x128xf32, #tpu.memory_space<vmem>>
        %dma_start3A_346 = arith.constant 0 : i32
        %dma_start3A_347 = arith.constant 0 : i32
        %dma_start3A_348 = tpu.memref_slice %arg7[%add3A, %add3A_339, %dma_start3A_346, %dma_start3A_347] : memref<32x80x128x128xf32, #tpu.memory_space<hbm>> -> memref<1x1x128x128xf32, #tpu.memory_space<hbm>>
        %dma_start3A_349 = tpu.memref_squeeze %dma_start3A_348 : memref<1x1x128x128xf32, #tpu.memory_space<hbm>> -> memref<128x128xf32, #tpu.memory_space<hbm>>
        %dma_start3A_350 = tpu.memref_slice %arg12[%dma_start3A_341] : memref<2x!tpu.dma_semaphore, #tpu.memory_space<semaphore_mem>> -> memref<1x!tpu.dma_semaphore, #tpu.memory_space<semaphore_mem>>
        %dma_start3A_351 = tpu.memref_squeeze %dma_start3A_350 : memref<1x!tpu.dma_semaphore, #tpu.memory_space<semaphore_mem>> -> memref<!tpu.dma_semaphore, #tpu.memory_space<semaphore_mem>>
        %dma_start3A_352 = arith.constant 0 : i32
        %dma_start3A_353 = arith.constant 0 : i32
        %dma_start3A_354 = tpu.memref_slice %arg9[%dma_start3A_340, %dma_start3A_352, %dma_start3A_353] : memref<2x128x128xf32, #tpu.memory_space<vmem>> -> memref<1x128x128xf32, #tpu.memory_space<vmem>>
        %dma_start3A_355 = tpu.memref_squeeze %dma_start3A_354 : memref<1x128x128xf32, #tpu.memory_space<vmem>> -> memref<128x128xf32, #tpu.memory_space<vmem>>
        %dma_start3A_356 = arith.constant 0 : i32
        %dma_start3A_357 = arith.constant 0 : i32
        %dma_start3A_358 = tpu.memref_slice %arg7[%add3A, %add3A_339, %dma_start3A_356, %dma_start3A_357] : memref<32x80x128x128xf32, #tpu.memory_space<hbm>> -> memref<1x1x128x128xf32, #tpu.memory_space<hbm>>
        %dma_start3A_359 = tpu.memref_squeeze %dma_start3A_358 : memref<1x1x128x128xf32, #tpu.memory_space<hbm>> -> memref<128x128xf32, #tpu.memory_space<hbm>>
        tpu.enqueue_dma source(%dma_start3A_359 : memref<128x128xf32, #tpu.memory_space<hbm>>) target(%dma_start3A_355 : memref<128x128xf32, #tpu.memory_space<vmem>>) target_semaphore(%dma_start3A_351 : memref<!tpu.dma_semaphore, #tpu.memory_space<semaphore_mem>>)
      } else {
      }
      %add3A_211 = arith.constant 2 : i32
      %add3A_212 = arith.addi %add3A_203, %add3A_211 : i32
      %lt3A_213 = arith.constant 80 : i32
      %lt3A_214 = arith.cmpi slt, %add3A_212, %lt3A_213 : i32
      %convert_element_type3A_215 = arith.extui %lt3A_214 : i1 to i32
      %cond3A_216 = arith.constant 0 : i32
      %cond3A_217 = arith.cmpi ne, %convert_element_type3A_215, %cond3A_216 : i32
      scf.if %cond3A_217 {
        %add3A_320 = arith.constant 2 : i32
        %add3A_321 = arith.addi %add3A_203, %add3A_320 : i32
        %dma_start3A_322 = arith.constant 3 : i32
        %dma_start3A_323 = arith.constant 3 : i32
        %dma_start3A_324 = arith.constant 0 : i32
        %dma_start3A_325 = tpu.memref_slice %arg8[%dma_start3A_322, %dma_start3A_324] : memref<4x128xi32, #tpu.memory_space<vmem>> -> memref<1x128xi32, #tpu.memory_space<vmem>>
        %dma_start3A_326 = tpu.memref_squeeze %dma_start3A_325 : memref<1x128xi32, #tpu.memory_space<vmem>> -> memref<128xi32, #tpu.memory_space<vmem>>
        %dma_start3A_327 = arith.constant 0 : i32
        %dma_start3A_328 = tpu.memref_slice %arg3[%add3A, %add3A_321, %dma_start3A_327] : memref<32x80x128xi32, #tpu.memory_space<hbm>> -> memref<1x1x128xi32, #tpu.memory_space<hbm>>
        %dma_start3A_329 = tpu.memref_squeeze %dma_start3A_328 : memref<1x1x128xi32, #tpu.memory_space<hbm>> -> memref<128xi32, #tpu.memory_space<hbm>>
        %dma_start3A_330 = tpu.memref_slice %arg11[%dma_start3A_323] : memref<4x!tpu.dma_semaphore, #tpu.memory_space<semaphore_mem>> -> memref<1x!tpu.dma_semaphore, #tpu.memory_space<semaphore_mem>>
        %dma_start3A_331 = tpu.memref_squeeze %dma_start3A_330 : memref<1x!tpu.dma_semaphore, #tpu.memory_space<semaphore_mem>> -> memref<!tpu.dma_semaphore, #tpu.memory_space<semaphore_mem>>
        %dma_start3A_332 = arith.constant 0 : i32
        %dma_start3A_333 = tpu.memref_slice %arg8[%dma_start3A_322, %dma_start3A_332] : memref<4x128xi32, #tpu.memory_space<vmem>> -> memref<1x128xi32, #tpu.memory_space<vmem>>
        %dma_start3A_334 = tpu.memref_squeeze %dma_start3A_333 : memref<1x128xi32, #tpu.memory_space<vmem>> -> memref<128xi32, #tpu.memory_space<vmem>>
        %dma_start3A_335 = arith.constant 0 : i32
        %dma_start3A_336 = tpu.memref_slice %arg3[%add3A, %add3A_321, %dma_start3A_335] : memref<32x80x128xi32, #tpu.memory_space<hbm>> -> memref<1x1x128xi32, #tpu.memory_space<hbm>>
        %dma_start3A_337 = tpu.memref_squeeze %dma_start3A_336 : memref<1x1x128xi32, #tpu.memory_space<hbm>> -> memref<128xi32, #tpu.memory_space<hbm>>
        tpu.enqueue_dma source(%dma_start3A_337 : memref<128xi32, #tpu.memory_space<hbm>>) target(%dma_start3A_334 : memref<128xi32, #tpu.memory_space<vmem>>) target_semaphore(%dma_start3A_331 : memref<!tpu.dma_semaphore, #tpu.memory_space<semaphore_mem>>)
      } else {
      }
      %dma_wait3A_218 = arith.constant 1 : i32
      %dma_wait3A_219 = arith.constant 1 : i32
      %dma_wait3A_220 = arith.constant 0 : i32
      %dma_wait3A_221 = arith.constant 0 : i32
      %dma_wait3A_222 = tpu.memref_slice %arg9[%dma_wait3A_218, %dma_wait3A_220, %dma_wait3A_221] : memref<2x128x128xf32, #tpu.memory_space<vmem>> -> memref<1x128x128xf32, #tpu.memory_space<vmem>>
      %dma_wait3A_223 = tpu.memref_squeeze %dma_wait3A_222 : memref<1x128x128xf32, #tpu.memory_space<vmem>> -> memref<128x128xf32, #tpu.memory_space<vmem>>
      %dma_wait3A_224 = arith.constant 0 : i32
      %dma_wait3A_225 = arith.constant 0 : i32
      %dma_wait3A_226 = tpu.memref_slice %arg7[%add3A, %add3A_203, %dma_wait3A_224, %dma_wait3A_225] : memref<32x80x128x128xf32, #tpu.memory_space<hbm>> -> memref<1x1x128x128xf32, #tpu.memory_space<hbm>>
      %dma_wait3A_227 = tpu.memref_squeeze %dma_wait3A_226 : memref<1x1x128x128xf32, #tpu.memory_space<hbm>> -> memref<128x128xf32, #tpu.memory_space<hbm>>
      %dma_wait3A_228 = tpu.memref_slice %arg12[%dma_wait3A_219] : memref<2x!tpu.dma_semaphore, #tpu.memory_space<semaphore_mem>> -> memref<1x!tpu.dma_semaphore, #tpu.memory_space<semaphore_mem>>
      %dma_wait3A_229 = tpu.memref_squeeze %dma_wait3A_228 : memref<1x!tpu.dma_semaphore, #tpu.memory_space<semaphore_mem>> -> memref<!tpu.dma_semaphore, #tpu.memory_space<semaphore_mem>>
      %dma_wait3A_230 = arith.constant 0 : i32
      %dma_wait3A_231 = arith.constant 0 : i32
      %dma_wait3A_232 = tpu.memref_slice %arg9[%dma_wait3A_218, %dma_wait3A_230, %dma_wait3A_231] : memref<2x128x128xf32, #tpu.memory_space<vmem>> -> memref<1x128x128xf32, #tpu.memory_space<vmem>>
      %dma_wait3A_233 = tpu.memref_squeeze %dma_wait3A_232 : memref<1x128x128xf32, #tpu.memory_space<vmem>> -> memref<128x128xf32, #tpu.memory_space<vmem>>
      %dma_wait3A_234 = arith.constant 0 : i32
      %dma_wait3A_235 = arith.constant 0 : i32
      %dma_wait3A_236 = tpu.memref_slice %arg7[%add3A, %add3A_203, %dma_wait3A_234, %dma_wait3A_235] : memref<32x80x128x128xf32, #tpu.memory_space<hbm>> -> memref<1x1x128x128xf32, #tpu.memory_space<hbm>>
      %dma_wait3A_237 = tpu.memref_squeeze %dma_wait3A_236 : memref<1x1x128x128xf32, #tpu.memory_space<hbm>> -> memref<128x128xf32, #tpu.memory_space<hbm>>
      tpu.wait_dma2 semaphore(%dma_wait3A_229 : memref<!tpu.dma_semaphore, #tpu.memory_space<semaphore_mem>>) src(%dma_wait3A_237 : memref<128x128xf32, #tpu.memory_space<hbm>>) dst(%dma_wait3A_233 : memref<128x128xf32, #tpu.memory_space<vmem>>)
      %run_scoped3A_238 = arith.constant 1 : i32
      %run_scoped3A_239 = arith.constant 1 : i32
      "tpu.region"() ({
        %run_scoped3A_320 = tpu.sem_alloc : memref<!tpu.dma_semaphore, #tpu.memory_space<semaphore_mem>>
        %dma_start3A_321 = arith.constant 0 : i32
        %dma_start3A_322 = arith.constant 0 : i32
        %dma_start3A_323 = tpu.memref_slice %arg9[%run_scoped3A_238, %dma_start3A_321, %dma_start3A_322] : memref<2x128x128xf32, #tpu.memory_space<vmem>> -> memref<1x128x128xf32, #tpu.memory_space<vmem>>
        %dma_start3A_324 = tpu.memref_squeeze %dma_start3A_323 : memref<1x128x128xf32, #tpu.memory_space<vmem>> -> memref<128x128xf32, #tpu.memory_space<vmem>>
        %dma_start3A_325 = arith.constant 0 : i32
        %dma_start3A_326 = tpu.memref_slice %arg8[%run_scoped3A_239, %dma_start3A_325] : memref<4x128xi32, #tpu.memory_space<vmem>> -> memref<1x128xi32, #tpu.memory_space<vmem>>
        %dma_start3A_327 = tpu.memref_squeeze %dma_start3A_326 : memref<1x128xi32, #tpu.memory_space<vmem>> -> memref<128xi32, #tpu.memory_space<vmem>>
        %dma_start3A_328 = arith.constant 0 : i32
        %dma_start3A_329 = arith.constant 0 : i32
        %dma_start3A_330 = tpu.memref_slice %arg10[%dma_start3A_328, %dma_start3A_329] : memref<10112x128xf32, #tpu.memory_space<vmem_shared>> -> memref<10112x128xf32, #tpu.memory_space<vmem_shared>>
        tpu.enqueue_indirect_dma source(%dma_start3A_324 : memref<128x128xf32, #tpu.memory_space<vmem>>) target(%dma_start3A_330 : memref<10112x128xf32, #tpu.memory_space<vmem_shared>>) offsets(%dma_start3A_327 : memref<128xi32, #tpu.memory_space<vmem>>) semaphore(%run_scoped3A_320 : memref<!tpu.dma_semaphore, #tpu.memory_space<semaphore_mem>>) {add = true}
        %dma_wait3A_331 = arith.constant 0 : i32
        %dma_wait3A_332 = arith.constant 0 : i32
        %dma_wait3A_333 = tpu.memref_slice %arg9[%run_scoped3A_238, %dma_wait3A_331, %dma_wait3A_332] : memref<2x128x128xf32, #tpu.memory_space<vmem>> -> memref<1x128x128xf32, #tpu.memory_space<vmem>>
        %dma_wait3A_334 = tpu.memref_squeeze %dma_wait3A_333 : memref<1x128x128xf32, #tpu.memory_space<vmem>> -> memref<128x128xf32, #tpu.memory_space<vmem>>
        %dma_wait3A_335 = arith.constant 0 : i32
        %dma_wait3A_336 = tpu.memref_slice %arg8[%run_scoped3A_239, %dma_wait3A_335] : memref<4x128xi32, #tpu.memory_space<vmem>> -> memref<1x128xi32, #tpu.memory_space<vmem>>
        %dma_wait3A_337 = tpu.memref_squeeze %dma_wait3A_336 : memref<1x128xi32, #tpu.memory_space<vmem>> -> memref<128xi32, #tpu.memory_space<vmem>>
        %dma_wait3A_338 = arith.constant 0 : i32
        %dma_wait3A_339 = arith.constant 0 : i32
        %dma_wait3A_340 = tpu.memref_slice %arg10[%dma_wait3A_338, %dma_wait3A_339] : memref<10112x128xf32, #tpu.memory_space<vmem_shared>> -> memref<10112x128xf32, #tpu.memory_space<vmem_shared>>
        tpu.wait_indirect_dma semaphore(%run_scoped3A_320 : memref<!tpu.dma_semaphore, #tpu.memory_space<semaphore_mem>>) src(%dma_wait3A_334 : memref<128x128xf32, #tpu.memory_space<vmem>>) dst(%dma_wait3A_340 : memref<10112x128xf32, #tpu.memory_space<vmem_shared>>)
        tpu.yield
      }) : () -> ()
      %mul3A_240 = arith.constant 4 : i32
      %mul3A_241 = arith.muli %scan3A_163, %mul3A_240 : i32
      %add3A_242 = arith.constant 2 : i32
      %add3A_243 = arith.addi %mul3A_241, %add3A_242 : i32
      %add3A_244 = arith.constant 1 : i32
      %add3A_245 = arith.addi %add3A_243, %add3A_244 : i32
      %lt3A_246 = arith.constant 80 : i32
      %lt3A_247 = arith.cmpi slt, %add3A_245, %lt3A_246 : i32
      %convert_element_type3A_248 = arith.extui %lt3A_247 : i1 to i32
      %cond3A_249 = arith.constant 0 : i32
      %cond3A_250 = arith.cmpi ne, %convert_element_type3A_248, %cond3A_249 : i32
      scf.if %cond3A_250 {
        %add3A_320 = arith.constant 1 : i32
        %add3A_321 = arith.addi %add3A_243, %add3A_320 : i32
        %dma_wait3A_322 = arith.constant 3 : i32
        %dma_wait3A_323 = arith.constant 3 : i32
        %dma_wait3A_324 = arith.constant 0 : i32
        %dma_wait3A_325 = tpu.memref_slice %arg8[%dma_wait3A_322, %dma_wait3A_324] : memref<4x128xi32, #tpu.memory_space<vmem>> -> memref<1x128xi32, #tpu.memory_space<vmem>>
        %dma_wait3A_326 = tpu.memref_squeeze %dma_wait3A_325 : memref<1x128xi32, #tpu.memory_space<vmem>> -> memref<128xi32, #tpu.memory_space<vmem>>
        %dma_wait3A_327 = arith.constant 0 : i32
        %dma_wait3A_328 = tpu.memref_slice %arg3[%add3A, %add3A_321, %dma_wait3A_327] : memref<32x80x128xi32, #tpu.memory_space<hbm>> -> memref<1x1x128xi32, #tpu.memory_space<hbm>>
        %dma_wait3A_329 = tpu.memref_squeeze %dma_wait3A_328 : memref<1x1x128xi32, #tpu.memory_space<hbm>> -> memref<128xi32, #tpu.memory_space<hbm>>
        %dma_wait3A_330 = tpu.memref_slice %arg11[%dma_wait3A_323] : memref<4x!tpu.dma_semaphore, #tpu.memory_space<semaphore_mem>> -> memref<1x!tpu.dma_semaphore, #tpu.memory_space<semaphore_mem>>
        %dma_wait3A_331 = tpu.memref_squeeze %dma_wait3A_330 : memref<1x!tpu.dma_semaphore, #tpu.memory_space<semaphore_mem>> -> memref<!tpu.dma_semaphore, #tpu.memory_space<semaphore_mem>>
        %dma_wait3A_332 = arith.constant 0 : i32
        %dma_wait3A_333 = tpu.memref_slice %arg8[%dma_wait3A_322, %dma_wait3A_332] : memref<4x128xi32, #tpu.memory_space<vmem>> -> memref<1x128xi32, #tpu.memory_space<vmem>>
        %dma_wait3A_334 = tpu.memref_squeeze %dma_wait3A_333 : memref<1x128xi32, #tpu.memory_space<vmem>> -> memref<128xi32, #tpu.memory_space<vmem>>
        %dma_wait3A_335 = arith.constant 0 : i32
        %dma_wait3A_336 = tpu.memref_slice %arg3[%add3A, %add3A_321, %dma_wait3A_335] : memref<32x80x128xi32, #tpu.memory_space<hbm>> -> memref<1x1x128xi32, #tpu.memory_space<hbm>>
        %dma_wait3A_337 = tpu.memref_squeeze %dma_wait3A_336 : memref<1x1x128xi32, #tpu.memory_space<hbm>> -> memref<128xi32, #tpu.memory_space<hbm>>
        tpu.wait_dma2 semaphore(%dma_wait3A_331 : memref<!tpu.dma_semaphore, #tpu.memory_space<semaphore_mem>>) src(%dma_wait3A_337 : memref<128xi32, #tpu.memory_space<hbm>>) dst(%dma_wait3A_334 : memref<128xi32, #tpu.memory_space<vmem>>)
        %add3A_338 = arith.constant 1 : i32
        %add3A_339 = arith.addi %add3A_243, %add3A_338 : i32
        %dma_start3A_340 = arith.constant 1 : i32
        %dma_start3A_341 = arith.constant 1 : i32
        %dma_start3A_342 = arith.constant 0 : i32
        %dma_start3A_343 = arith.constant 0 : i32
        %dma_start3A_344 = tpu.memref_slice %arg9[%dma_start3A_340, %dma_start3A_342, %dma_start3A_343] : memref<2x128x128xf32, #tpu.memory_space<vmem>> -> memref<1x128x128xf32, #tpu.memory_space<vmem>>
        %dma_start3A_345 = tpu.memref_squeeze %dma_start3A_344 : memref<1x128x128xf32, #tpu.memory_space<vmem>> -> memref<128x128xf32, #tpu.memory_space<vmem>>
        %dma_start3A_346 = arith.constant 0 : i32
        %dma_start3A_347 = arith.constant 0 : i32
        %dma_start3A_348 = tpu.memref_slice %arg7[%add3A, %add3A_339, %dma_start3A_346, %dma_start3A_347] : memref<32x80x128x128xf32, #tpu.memory_space<hbm>> -> memref<1x1x128x128xf32, #tpu.memory_space<hbm>>
        %dma_start3A_349 = tpu.memref_squeeze %dma_start3A_348 : memref<1x1x128x128xf32, #tpu.memory_space<hbm>> -> memref<128x128xf32, #tpu.memory_space<hbm>>
        %dma_start3A_350 = tpu.memref_slice %arg12[%dma_start3A_341] : memref<2x!tpu.dma_semaphore, #tpu.memory_space<semaphore_mem>> -> memref<1x!tpu.dma_semaphore, #tpu.memory_space<semaphore_mem>>
        %dma_start3A_351 = tpu.memref_squeeze %dma_start3A_350 : memref<1x!tpu.dma_semaphore, #tpu.memory_space<semaphore_mem>> -> memref<!tpu.dma_semaphore, #tpu.memory_space<semaphore_mem>>
        %dma_start3A_352 = arith.constant 0 : i32
        %dma_start3A_353 = arith.constant 0 : i32
        %dma_start3A_354 = tpu.memref_slice %arg9[%dma_start3A_340, %dma_start3A_352, %dma_start3A_353] : memref<2x128x128xf32, #tpu.memory_space<vmem>> -> memref<1x128x128xf32, #tpu.memory_space<vmem>>
        %dma_start3A_355 = tpu.memref_squeeze %dma_start3A_354 : memref<1x128x128xf32, #tpu.memory_space<vmem>> -> memref<128x128xf32, #tpu.memory_space<vmem>>
        %dma_start3A_356 = arith.constant 0 : i32
        %dma_start3A_357 = arith.constant 0 : i32
        %dma_start3A_358 = tpu.memref_slice %arg7[%add3A, %add3A_339, %dma_start3A_356, %dma_start3A_357] : memref<32x80x128x128xf32, #tpu.memory_space<hbm>> -> memref<1x1x128x128xf32, #tpu.memory_space<hbm>>
        %dma_start3A_359 = tpu.memref_squeeze %dma_start3A_358 : memref<1x1x128x128xf32, #tpu.memory_space<hbm>> -> memref<128x128xf32, #tpu.memory_space<hbm>>
        tpu.enqueue_dma source(%dma_start3A_359 : memref<128x128xf32, #tpu.memory_space<hbm>>) target(%dma_start3A_355 : memref<128x128xf32, #tpu.memory_space<vmem>>) target_semaphore(%dma_start3A_351 : memref<!tpu.dma_semaphore, #tpu.memory_space<semaphore_mem>>)
      } else {
      }
      %add3A_251 = arith.constant 2 : i32
      %add3A_252 = arith.addi %add3A_243, %add3A_251 : i32
      %lt3A_253 = arith.constant 80 : i32
      %lt3A_254 = arith.cmpi slt, %add3A_252, %lt3A_253 : i32
      %convert_element_type3A_255 = arith.extui %lt3A_254 : i1 to i32
      %cond3A_256 = arith.constant 0 : i32
      %cond3A_257 = arith.cmpi ne, %convert_element_type3A_255, %cond3A_256 : i32
      scf.if %cond3A_257 {
        %add3A_320 = arith.constant 2 : i32
        %add3A_321 = arith.addi %add3A_243, %add3A_320 : i32
        %dma_start3A_322 = arith.constant 0 : i32
        %dma_start3A_323 = arith.constant 0 : i32
        %dma_start3A_324 = arith.constant 0 : i32
        %dma_start3A_325 = tpu.memref_slice %arg8[%dma_start3A_322, %dma_start3A_324] : memref<4x128xi32, #tpu.memory_space<vmem>> -> memref<1x128xi32, #tpu.memory_space<vmem>>
        %dma_start3A_326 = tpu.memref_squeeze %dma_start3A_325 : memref<1x128xi32, #tpu.memory_space<vmem>> -> memref<128xi32, #tpu.memory_space<vmem>>
        %dma_start3A_327 = arith.constant 0 : i32
        %dma_start3A_328 = tpu.memref_slice %arg3[%add3A, %add3A_321, %dma_start3A_327] : memref<32x80x128xi32, #tpu.memory_space<hbm>> -> memref<1x1x128xi32, #tpu.memory_space<hbm>>
        %dma_start3A_329 = tpu.memref_squeeze %dma_start3A_328 : memref<1x1x128xi32, #tpu.memory_space<hbm>> -> memref<128xi32, #tpu.memory_space<hbm>>
        %dma_start3A_330 = tpu.memref_slice %arg11[%dma_start3A_323] : memref<4x!tpu.dma_semaphore, #tpu.memory_space<semaphore_mem>> -> memref<1x!tpu.dma_semaphore, #tpu.memory_space<semaphore_mem>>
        %dma_start3A_331 = tpu.memref_squeeze %dma_start3A_330 : memref<1x!tpu.dma_semaphore, #tpu.memory_space<semaphore_mem>> -> memref<!tpu.dma_semaphore, #tpu.memory_space<semaphore_mem>>
        %dma_start3A_332 = arith.constant 0 : i32
        %dma_start3A_333 = tpu.memref_slice %arg8[%dma_start3A_322, %dma_start3A_332] : memref<4x128xi32, #tpu.memory_space<vmem>> -> memref<1x128xi32, #tpu.memory_space<vmem>>
        %dma_start3A_334 = tpu.memref_squeeze %dma_start3A_333 : memref<1x128xi32, #tpu.memory_space<vmem>> -> memref<128xi32, #tpu.memory_space<vmem>>
        %dma_start3A_335 = arith.constant 0 : i32
        %dma_start3A_336 = tpu.memref_slice %arg3[%add3A, %add3A_321, %dma_start3A_335] : memref<32x80x128xi32, #tpu.memory_space<hbm>> -> memref<1x1x128xi32, #tpu.memory_space<hbm>>
        %dma_start3A_337 = tpu.memref_squeeze %dma_start3A_336 : memref<1x1x128xi32, #tpu.memory_space<hbm>> -> memref<128xi32, #tpu.memory_space<hbm>>
        tpu.enqueue_dma source(%dma_start3A_337 : memref<128xi32, #tpu.memory_space<hbm>>) target(%dma_start3A_334 : memref<128xi32, #tpu.memory_space<vmem>>) target_semaphore(%dma_start3A_331 : memref<!tpu.dma_semaphore, #tpu.memory_space<semaphore_mem>>)
      } else {
      }
      %dma_wait3A_258 = arith.constant 0 : i32
      %dma_wait3A_259 = arith.constant 0 : i32
      %dma_wait3A_260 = arith.constant 0 : i32
      %dma_wait3A_261 = arith.constant 0 : i32
      %dma_wait3A_262 = tpu.memref_slice %arg9[%dma_wait3A_258, %dma_wait3A_260, %dma_wait3A_261] : memref<2x128x128xf32, #tpu.memory_space<vmem>> -> memref<1x128x128xf32, #tpu.memory_space<vmem>>
      %dma_wait3A_263 = tpu.memref_squeeze %dma_wait3A_262 : memref<1x128x128xf32, #tpu.memory_space<vmem>> -> memref<128x128xf32, #tpu.memory_space<vmem>>
      %dma_wait3A_264 = arith.constant 0 : i32
      %dma_wait3A_265 = arith.constant 0 : i32
      %dma_wait3A_266 = tpu.memref_slice %arg7[%add3A, %add3A_243, %dma_wait3A_264, %dma_wait3A_265] : memref<32x80x128x128xf32, #tpu.memory_space<hbm>> -> memref<1x1x128x128xf32, #tpu.memory_space<hbm>>
      %dma_wait3A_267 = tpu.memref_squeeze %dma_wait3A_266 : memref<1x1x128x128xf32, #tpu.memory_space<hbm>> -> memref<128x128xf32, #tpu.memory_space<hbm>>
      %dma_wait3A_268 = tpu.memref_slice %arg12[%dma_wait3A_259] : memref<2x!tpu.dma_semaphore, #tpu.memory_space<semaphore_mem>> -> memref<1x!tpu.dma_semaphore, #tpu.memory_space<semaphore_mem>>
      %dma_wait3A_269 = tpu.memref_squeeze %dma_wait3A_268 : memref<1x!tpu.dma_semaphore, #tpu.memory_space<semaphore_mem>> -> memref<!tpu.dma_semaphore, #tpu.memory_space<semaphore_mem>>
      %dma_wait3A_270 = arith.constant 0 : i32
      %dma_wait3A_271 = arith.constant 0 : i32
      %dma_wait3A_272 = tpu.memref_slice %arg9[%dma_wait3A_258, %dma_wait3A_270, %dma_wait3A_271] : memref<2x128x128xf32, #tpu.memory_space<vmem>> -> memref<1x128x128xf32, #tpu.memory_space<vmem>>
      %dma_wait3A_273 = tpu.memref_squeeze %dma_wait3A_272 : memref<1x128x128xf32, #tpu.memory_space<vmem>> -> memref<128x128xf32, #tpu.memory_space<vmem>>
      %dma_wait3A_274 = arith.constant 0 : i32
      %dma_wait3A_275 = arith.constant 0 : i32
      %dma_wait3A_276 = tpu.memref_slice %arg7[%add3A, %add3A_243, %dma_wait3A_274, %dma_wait3A_275] : memref<32x80x128x128xf32, #tpu.memory_space<hbm>> -> memref<1x1x128x128xf32, #tpu.memory_space<hbm>>
      %dma_wait3A_277 = tpu.memref_squeeze %dma_wait3A_276 : memref<1x1x128x128xf32, #tpu.memory_space<hbm>> -> memref<128x128xf32, #tpu.memory_space<hbm>>
      tpu.wait_dma2 semaphore(%dma_wait3A_269 : memref<!tpu.dma_semaphore, #tpu.memory_space<semaphore_mem>>) src(%dma_wait3A_277 : memref<128x128xf32, #tpu.memory_space<hbm>>) dst(%dma_wait3A_273 : memref<128x128xf32, #tpu.memory_space<vmem>>)
      %run_scoped3A_278 = arith.constant 0 : i32
      %run_scoped3A_279 = arith.constant 2 : i32
      "tpu.region"() ({
        %run_scoped3A_320 = tpu.sem_alloc : memref<!tpu.dma_semaphore, #tpu.memory_space<semaphore_mem>>
        %dma_start3A_321 = arith.constant 0 : i32
        %dma_start3A_322 = arith.constant 0 : i32
        %dma_start3A_323 = tpu.memref_slice %arg9[%run_scoped3A_278, %dma_start3A_321, %dma_start3A_322] : memref<2x128x128xf32, #tpu.memory_space<vmem>> -> memref<1x128x128xf32, #tpu.memory_space<vmem>>
        %dma_start3A_324 = tpu.memref_squeeze %dma_start3A_323 : memref<1x128x128xf32, #tpu.memory_space<vmem>> -> memref<128x128xf32, #tpu.memory_space<vmem>>
        %dma_start3A_325 = arith.constant 0 : i32
        %dma_start3A_326 = tpu.memref_slice %arg8[%run_scoped3A_279, %dma_start3A_325] : memref<4x128xi32, #tpu.memory_space<vmem>> -> memref<1x128xi32, #tpu.memory_space<vmem>>
        %dma_start3A_327 = tpu.memref_squeeze %dma_start3A_326 : memref<1x128xi32, #tpu.memory_space<vmem>> -> memref<128xi32, #tpu.memory_space<vmem>>
        %dma_start3A_328 = arith.constant 0 : i32
        %dma_start3A_329 = arith.constant 0 : i32
        %dma_start3A_330 = tpu.memref_slice %arg10[%dma_start3A_328, %dma_start3A_329] : memref<10112x128xf32, #tpu.memory_space<vmem_shared>> -> memref<10112x128xf32, #tpu.memory_space<vmem_shared>>
        tpu.enqueue_indirect_dma source(%dma_start3A_324 : memref<128x128xf32, #tpu.memory_space<vmem>>) target(%dma_start3A_330 : memref<10112x128xf32, #tpu.memory_space<vmem_shared>>) offsets(%dma_start3A_327 : memref<128xi32, #tpu.memory_space<vmem>>) semaphore(%run_scoped3A_320 : memref<!tpu.dma_semaphore, #tpu.memory_space<semaphore_mem>>) {add = true}
        %dma_wait3A_331 = arith.constant 0 : i32
        %dma_wait3A_332 = arith.constant 0 : i32
        %dma_wait3A_333 = tpu.memref_slice %arg9[%run_scoped3A_278, %dma_wait3A_331, %dma_wait3A_332] : memref<2x128x128xf32, #tpu.memory_space<vmem>> -> memref<1x128x128xf32, #tpu.memory_space<vmem>>
        %dma_wait3A_334 = tpu.memref_squeeze %dma_wait3A_333 : memref<1x128x128xf32, #tpu.memory_space<vmem>> -> memref<128x128xf32, #tpu.memory_space<vmem>>
        %dma_wait3A_335 = arith.constant 0 : i32
        %dma_wait3A_336 = tpu.memref_slice %arg8[%run_scoped3A_279, %dma_wait3A_335] : memref<4x128xi32, #tpu.memory_space<vmem>> -> memref<1x128xi32, #tpu.memory_space<vmem>>
        %dma_wait3A_337 = tpu.memref_squeeze %dma_wait3A_336 : memref<1x128xi32, #tpu.memory_space<vmem>> -> memref<128xi32, #tpu.memory_space<vmem>>
        %dma_wait3A_338 = arith.constant 0 : i32
        %dma_wait3A_339 = arith.constant 0 : i32
        %dma_wait3A_340 = tpu.memref_slice %arg10[%dma_wait3A_338, %dma_wait3A_339] : memref<10112x128xf32, #tpu.memory_space<vmem_shared>> -> memref<10112x128xf32, #tpu.memory_space<vmem_shared>>
        tpu.wait_indirect_dma semaphore(%run_scoped3A_320 : memref<!tpu.dma_semaphore, #tpu.memory_space<semaphore_mem>>) src(%dma_wait3A_334 : memref<128x128xf32, #tpu.memory_space<vmem>>) dst(%dma_wait3A_340 : memref<10112x128xf32, #tpu.memory_space<vmem_shared>>)
        tpu.yield
      }) : () -> ()
      %mul3A_280 = arith.constant 4 : i32
      %mul3A_281 = arith.muli %scan3A_163, %mul3A_280 : i32
      %add3A_282 = arith.constant 3 : i32
      %add3A_283 = arith.addi %mul3A_281, %add3A_282 : i32
      %add3A_284 = arith.constant 1 : i32
      %add3A_285 = arith.addi %add3A_283, %add3A_284 : i32
      %lt3A_286 = arith.constant 80 : i32
      %lt3A_287 = arith.cmpi slt, %add3A_285, %lt3A_286 : i32
      %convert_element_type3A_288 = arith.extui %lt3A_287 : i1 to i32
      %cond3A_289 = arith.constant 0 : i32
      %cond3A_290 = arith.cmpi ne, %convert_element_type3A_288, %cond3A_289 : i32
      scf.if %cond3A_290 {
        %add3A_320 = arith.constant 1 : i32
        %add3A_321 = arith.addi %add3A_283, %add3A_320 : i32
        %dma_wait3A_322 = arith.constant 0 : i32
        %dma_wait3A_323 = arith.constant 0 : i32
        %dma_wait3A_324 = arith.constant 0 : i32
        %dma_wait3A_325 = tpu.memref_slice %arg8[%dma_wait3A_322, %dma_wait3A_324] : memref<4x128xi32, #tpu.memory_space<vmem>> -> memref<1x128xi32, #tpu.memory_space<vmem>>
        %dma_wait3A_326 = tpu.memref_squeeze %dma_wait3A_325 : memref<1x128xi32, #tpu.memory_space<vmem>> -> memref<128xi32, #tpu.memory_space<vmem>>
        %dma_wait3A_327 = arith.constant 0 : i32
        %dma_wait3A_328 = tpu.memref_slice %arg3[%add3A, %add3A_321, %dma_wait3A_327] : memref<32x80x128xi32, #tpu.memory_space<hbm>> -> memref<1x1x128xi32, #tpu.memory_space<hbm>>
        %dma_wait3A_329 = tpu.memref_squeeze %dma_wait3A_328 : memref<1x1x128xi32, #tpu.memory_space<hbm>> -> memref<128xi32, #tpu.memory_space<hbm>>
        %dma_wait3A_330 = tpu.memref_slice %arg11[%dma_wait3A_323] : memref<4x!tpu.dma_semaphore, #tpu.memory_space<semaphore_mem>> -> memref<1x!tpu.dma_semaphore, #tpu.memory_space<semaphore_mem>>
        %dma_wait3A_331 = tpu.memref_squeeze %dma_wait3A_330 : memref<1x!tpu.dma_semaphore, #tpu.memory_space<semaphore_mem>> -> memref<!tpu.dma_semaphore, #tpu.memory_space<semaphore_mem>>
        %dma_wait3A_332 = arith.constant 0 : i32
        %dma_wait3A_333 = tpu.memref_slice %arg8[%dma_wait3A_322, %dma_wait3A_332] : memref<4x128xi32, #tpu.memory_space<vmem>> -> memref<1x128xi32, #tpu.memory_space<vmem>>
        %dma_wait3A_334 = tpu.memref_squeeze %dma_wait3A_333 : memref<1x128xi32, #tpu.memory_space<vmem>> -> memref<128xi32, #tpu.memory_space<vmem>>
        %dma_wait3A_335 = arith.constant 0 : i32
        %dma_wait3A_336 = tpu.memref_slice %arg3[%add3A, %add3A_321, %dma_wait3A_335] : memref<32x80x128xi32, #tpu.memory_space<hbm>> -> memref<1x1x128xi32, #tpu.memory_space<hbm>>
        %dma_wait3A_337 = tpu.memref_squeeze %dma_wait3A_336 : memref<1x1x128xi32, #tpu.memory_space<hbm>> -> memref<128xi32, #tpu.memory_space<hbm>>
        tpu.wait_dma2 semaphore(%dma_wait3A_331 : memref<!tpu.dma_semaphore, #tpu.memory_space<semaphore_mem>>) src(%dma_wait3A_337 : memref<128xi32, #tpu.memory_space<hbm>>) dst(%dma_wait3A_334 : memref<128xi32, #tpu.memory_space<vmem>>)
        %add3A_338 = arith.constant 1 : i32
        %add3A_339 = arith.addi %add3A_283, %add3A_338 : i32
        %dma_start3A_340 = arith.constant 0 : i32
        %dma_start3A_341 = arith.constant 0 : i32
        %dma_start3A_342 = arith.constant 0 : i32
        %dma_start3A_343 = arith.constant 0 : i32
        %dma_start3A_344 = tpu.memref_slice %arg9[%dma_start3A_340, %dma_start3A_342, %dma_start3A_343] : memref<2x128x128xf32, #tpu.memory_space<vmem>> -> memref<1x128x128xf32, #tpu.memory_space<vmem>>
        %dma_start3A_345 = tpu.memref_squeeze %dma_start3A_344 : memref<1x128x128xf32, #tpu.memory_space<vmem>> -> memref<128x128xf32, #tpu.memory_space<vmem>>
        %dma_start3A_346 = arith.constant 0 : i32
        %dma_start3A_347 = arith.constant 0 : i32
        %dma_start3A_348 = tpu.memref_slice %arg7[%add3A, %add3A_339, %dma_start3A_346, %dma_start3A_347] : memref<32x80x128x128xf32, #tpu.memory_space<hbm>> -> memref<1x1x128x128xf32, #tpu.memory_space<hbm>>
        %dma_start3A_349 = tpu.memref_squeeze %dma_start3A_348 : memref<1x1x128x128xf32, #tpu.memory_space<hbm>> -> memref<128x128xf32, #tpu.memory_space<hbm>>
        %dma_start3A_350 = tpu.memref_slice %arg12[%dma_start3A_341] : memref<2x!tpu.dma_semaphore, #tpu.memory_space<semaphore_mem>> -> memref<1x!tpu.dma_semaphore, #tpu.memory_space<semaphore_mem>>
        %dma_start3A_351 = tpu.memref_squeeze %dma_start3A_350 : memref<1x!tpu.dma_semaphore, #tpu.memory_space<semaphore_mem>> -> memref<!tpu.dma_semaphore, #tpu.memory_space<semaphore_mem>>
        %dma_start3A_352 = arith.constant 0 : i32
        %dma_start3A_353 = arith.constant 0 : i32
        %dma_start3A_354 = tpu.memref_slice %arg9[%dma_start3A_340, %dma_start3A_352, %dma_start3A_353] : memref<2x128x128xf32, #tpu.memory_space<vmem>> -> memref<1x128x128xf32, #tpu.memory_space<vmem>>
        %dma_start3A_355 = tpu.memref_squeeze %dma_start3A_354 : memref<1x128x128xf32, #tpu.memory_space<vmem>> -> memref<128x128xf32, #tpu.memory_space<vmem>>
        %dma_start3A_356 = arith.constant 0 : i32
        %dma_start3A_357 = arith.constant 0 : i32
        %dma_start3A_358 = tpu.memref_slice %arg7[%add3A, %add3A_339, %dma_start3A_356, %dma_start3A_357] : memref<32x80x128x128xf32, #tpu.memory_space<hbm>> -> memref<1x1x128x128xf32, #tpu.memory_space<hbm>>
        %dma_start3A_359 = tpu.memref_squeeze %dma_start3A_358 : memref<1x1x128x128xf32, #tpu.memory_space<hbm>> -> memref<128x128xf32, #tpu.memory_space<hbm>>
        tpu.enqueue_dma source(%dma_start3A_359 : memref<128x128xf32, #tpu.memory_space<hbm>>) target(%dma_start3A_355 : memref<128x128xf32, #tpu.memory_space<vmem>>) target_semaphore(%dma_start3A_351 : memref<!tpu.dma_semaphore, #tpu.memory_space<semaphore_mem>>)
      } else {
      }
      %add3A_291 = arith.constant 2 : i32
      %add3A_292 = arith.addi %add3A_283, %add3A_291 : i32
      %lt3A_293 = arith.constant 80 : i32
      %lt3A_294 = arith.cmpi slt, %add3A_292, %lt3A_293 : i32
      %convert_element_type3A_295 = arith.extui %lt3A_294 : i1 to i32
      %cond3A_296 = arith.constant 0 : i32
      %cond3A_297 = arith.cmpi ne, %convert_element_type3A_295, %cond3A_296 : i32
      scf.if %cond3A_297 {
        %add3A_320 = arith.constant 2 : i32
        %add3A_321 = arith.addi %add3A_283, %add3A_320 : i32
        %dma_start3A_322 = arith.constant 1 : i32
        %dma_start3A_323 = arith.constant 1 : i32
        %dma_start3A_324 = arith.constant 0 : i32
        %dma_start3A_325 = tpu.memref_slice %arg8[%dma_start3A_322, %dma_start3A_324] : memref<4x128xi32, #tpu.memory_space<vmem>> -> memref<1x128xi32, #tpu.memory_space<vmem>>
        %dma_start3A_326 = tpu.memref_squeeze %dma_start3A_325 : memref<1x128xi32, #tpu.memory_space<vmem>> -> memref<128xi32, #tpu.memory_space<vmem>>
        %dma_start3A_327 = arith.constant 0 : i32
        %dma_start3A_328 = tpu.memref_slice %arg3[%add3A, %add3A_321, %dma_start3A_327] : memref<32x80x128xi32, #tpu.memory_space<hbm>> -> memref<1x1x128xi32, #tpu.memory_space<hbm>>
        %dma_start3A_329 = tpu.memref_squeeze %dma_start3A_328 : memref<1x1x128xi32, #tpu.memory_space<hbm>> -> memref<128xi32, #tpu.memory_space<hbm>>
        %dma_start3A_330 = tpu.memref_slice %arg11[%dma_start3A_323] : memref<4x!tpu.dma_semaphore, #tpu.memory_space<semaphore_mem>> -> memref<1x!tpu.dma_semaphore, #tpu.memory_space<semaphore_mem>>
        %dma_start3A_331 = tpu.memref_squeeze %dma_start3A_330 : memref<1x!tpu.dma_semaphore, #tpu.memory_space<semaphore_mem>> -> memref<!tpu.dma_semaphore, #tpu.memory_space<semaphore_mem>>
        %dma_start3A_332 = arith.constant 0 : i32
        %dma_start3A_333 = tpu.memref_slice %arg8[%dma_start3A_322, %dma_start3A_332] : memref<4x128xi32, #tpu.memory_space<vmem>> -> memref<1x128xi32, #tpu.memory_space<vmem>>
        %dma_start3A_334 = tpu.memref_squeeze %dma_start3A_333 : memref<1x128xi32, #tpu.memory_space<vmem>> -> memref<128xi32, #tpu.memory_space<vmem>>
        %dma_start3A_335 = arith.constant 0 : i32
        %dma_start3A_336 = tpu.memref_slice %arg3[%add3A, %add3A_321, %dma_start3A_335] : memref<32x80x128xi32, #tpu.memory_space<hbm>> -> memref<1x1x128xi32, #tpu.memory_space<hbm>>
        %dma_start3A_337 = tpu.memref_squeeze %dma_start3A_336 : memref<1x1x128xi32, #tpu.memory_space<hbm>> -> memref<128xi32, #tpu.memory_space<hbm>>
        tpu.enqueue_dma source(%dma_start3A_337 : memref<128xi32, #tpu.memory_space<hbm>>) target(%dma_start3A_334 : memref<128xi32, #tpu.memory_space<vmem>>) target_semaphore(%dma_start3A_331 : memref<!tpu.dma_semaphore, #tpu.memory_space<semaphore_mem>>)
      } else {
      }
      %dma_wait3A_298 = arith.constant 1 : i32
      %dma_wait3A_299 = arith.constant 1 : i32
      %dma_wait3A_300 = arith.constant 0 : i32
      %dma_wait3A_301 = arith.constant 0 : i32
      %dma_wait3A_302 = tpu.memref_slice %arg9[%dma_wait3A_298, %dma_wait3A_300, %dma_wait3A_301] : memref<2x128x128xf32, #tpu.memory_space<vmem>> -> memref<1x128x128xf32, #tpu.memory_space<vmem>>
      %dma_wait3A_303 = tpu.memref_squeeze %dma_wait3A_302 : memref<1x128x128xf32, #tpu.memory_space<vmem>> -> memref<128x128xf32, #tpu.memory_space<vmem>>
      %dma_wait3A_304 = arith.constant 0 : i32
      %dma_wait3A_305 = arith.constant 0 : i32
      %dma_wait3A_306 = tpu.memref_slice %arg7[%add3A, %add3A_283, %dma_wait3A_304, %dma_wait3A_305] : memref<32x80x128x128xf32, #tpu.memory_space<hbm>> -> memref<1x1x128x128xf32, #tpu.memory_space<hbm>>
      %dma_wait3A_307 = tpu.memref_squeeze %dma_wait3A_306 : memref<1x1x128x128xf32, #tpu.memory_space<hbm>> -> memref<128x128xf32, #tpu.memory_space<hbm>>
      %dma_wait3A_308 = tpu.memref_slice %arg12[%dma_wait3A_299] : memref<2x!tpu.dma_semaphore, #tpu.memory_space<semaphore_mem>> -> memref<1x!tpu.dma_semaphore, #tpu.memory_space<semaphore_mem>>
      %dma_wait3A_309 = tpu.memref_squeeze %dma_wait3A_308 : memref<1x!tpu.dma_semaphore, #tpu.memory_space<semaphore_mem>> -> memref<!tpu.dma_semaphore, #tpu.memory_space<semaphore_mem>>
      %dma_wait3A_310 = arith.constant 0 : i32
      %dma_wait3A_311 = arith.constant 0 : i32
      %dma_wait3A_312 = tpu.memref_slice %arg9[%dma_wait3A_298, %dma_wait3A_310, %dma_wait3A_311] : memref<2x128x128xf32, #tpu.memory_space<vmem>> -> memref<1x128x128xf32, #tpu.memory_space<vmem>>
      %dma_wait3A_313 = tpu.memref_squeeze %dma_wait3A_312 : memref<1x128x128xf32, #tpu.memory_space<vmem>> -> memref<128x128xf32, #tpu.memory_space<vmem>>
      %dma_wait3A_314 = arith.constant 0 : i32
      %dma_wait3A_315 = arith.constant 0 : i32
      %dma_wait3A_316 = tpu.memref_slice %arg7[%add3A, %add3A_283, %dma_wait3A_314, %dma_wait3A_315] : memref<32x80x128x128xf32, #tpu.memory_space<hbm>> -> memref<1x1x128x128xf32, #tpu.memory_space<hbm>>
      %dma_wait3A_317 = tpu.memref_squeeze %dma_wait3A_316 : memref<1x1x128x128xf32, #tpu.memory_space<hbm>> -> memref<128x128xf32, #tpu.memory_space<hbm>>
      tpu.wait_dma2 semaphore(%dma_wait3A_309 : memref<!tpu.dma_semaphore, #tpu.memory_space<semaphore_mem>>) src(%dma_wait3A_317 : memref<128x128xf32, #tpu.memory_space<hbm>>) dst(%dma_wait3A_313 : memref<128x128xf32, #tpu.memory_space<vmem>>)
      %run_scoped3A_318 = arith.constant 1 : i32
      %run_scoped3A_319 = arith.constant 3 : i32
      "tpu.region"() ({
        %run_scoped3A_320 = tpu.sem_alloc : memref<!tpu.dma_semaphore, #tpu.memory_space<semaphore_mem>>
        %dma_start3A_321 = arith.constant 0 : i32
        %dma_start3A_322 = arith.constant 0 : i32
        %dma_start3A_323 = tpu.memref_slice %arg9[%run_scoped3A_318, %dma_start3A_321, %dma_start3A_322] : memref<2x128x128xf32, #tpu.memory_space<vmem>> -> memref<1x128x128xf32, #tpu.memory_space<vmem>>
        %dma_start3A_324 = tpu.memref_squeeze %dma_start3A_323 : memref<1x128x128xf32, #tpu.memory_space<vmem>> -> memref<128x128xf32, #tpu.memory_space<vmem>>
        %dma_start3A_325 = arith.constant 0 : i32
        %dma_start3A_326 = tpu.memref_slice %arg8[%run_scoped3A_319, %dma_start3A_325] : memref<4x128xi32, #tpu.memory_space<vmem>> -> memref<1x128xi32, #tpu.memory_space<vmem>>
        %dma_start3A_327 = tpu.memref_squeeze %dma_start3A_326 : memref<1x128xi32, #tpu.memory_space<vmem>> -> memref<128xi32, #tpu.memory_space<vmem>>
        %dma_start3A_328 = arith.constant 0 : i32
        %dma_start3A_329 = arith.constant 0 : i32
        %dma_start3A_330 = tpu.memref_slice %arg10[%dma_start3A_328, %dma_start3A_329] : memref<10112x128xf32, #tpu.memory_space<vmem_shared>> -> memref<10112x128xf32, #tpu.memory_space<vmem_shared>>
        tpu.enqueue_indirect_dma source(%dma_start3A_324 : memref<128x128xf32, #tpu.memory_space<vmem>>) target(%dma_start3A_330 : memref<10112x128xf32, #tpu.memory_space<vmem_shared>>) offsets(%dma_start3A_327 : memref<128xi32, #tpu.memory_space<vmem>>) semaphore(%run_scoped3A_320 : memref<!tpu.dma_semaphore, #tpu.memory_space<semaphore_mem>>) {add = true}
        %dma_wait3A_331 = arith.constant 0 : i32
        %dma_wait3A_332 = arith.constant 0 : i32
        %dma_wait3A_333 = tpu.memref_slice %arg9[%run_scoped3A_318, %dma_wait3A_331, %dma_wait3A_332] : memref<2x128x128xf32, #tpu.memory_space<vmem>> -> memref<1x128x128xf32, #tpu.memory_space<vmem>>
        %dma_wait3A_334 = tpu.memref_squeeze %dma_wait3A_333 : memref<1x128x128xf32, #tpu.memory_space<vmem>> -> memref<128x128xf32, #tpu.memory_space<vmem>>
        %dma_wait3A_335 = arith.constant 0 : i32
        %dma_wait3A_336 = tpu.memref_slice %arg8[%run_scoped3A_319, %dma_wait3A_335] : memref<4x128xi32, #tpu.memory_space<vmem>> -> memref<1x128xi32, #tpu.memory_space<vmem>>
        %dma_wait3A_337 = tpu.memref_squeeze %dma_wait3A_336 : memref<1x128xi32, #tpu.memory_space<vmem>> -> memref<128xi32, #tpu.memory_space<vmem>>
        %dma_wait3A_338 = arith.constant 0 : i32
        %dma_wait3A_339 = arith.constant 0 : i32
        %dma_wait3A_340 = tpu.memref_slice %arg10[%dma_wait3A_338, %dma_wait3A_339] : memref<10112x128xf32, #tpu.memory_space<vmem_shared>> -> memref<10112x128xf32, #tpu.memory_space<vmem_shared>>
        tpu.wait_indirect_dma semaphore(%run_scoped3A_320 : memref<!tpu.dma_semaphore, #tpu.memory_space<semaphore_mem>>) src(%dma_wait3A_334 : memref<128x128xf32, #tpu.memory_space<vmem>>) dst(%dma_wait3A_340 : memref<10112x128xf32, #tpu.memory_space<vmem_shared>>)
        tpu.yield
      }) : () -> ()
    }
    %scan3A_157 = arith.constant 20 : i32
    %barrier3A_158 = arith.constant 0 : index
    tpu.barrier barrier_id(%barrier3A_158)
    %mul3A_159 = arith.constant 632 : i32
    %mul3A_160 = arith.muli %arg1, %mul3A_159 : i32
    %mul3A_161 = arith.constant 632 : i32
    %mul3A_162 = arith.muli %arg1, %mul3A_161 : i32
    "tpu.region"() ({
      %run_scoped3A = tpu.sem_alloc : memref<!tpu.dma_semaphore, #tpu.memory_space<semaphore_mem>>
      %dma_start3A_163 = arith.constant 0 : i32
      %dma_start3A_164 = tpu.memref_slice %arg6[%arg0, %mul3A_162, %dma_start3A_163] : memref<2x10112x128xf32, #tpu.memory_space<hbm>> -> memref<1x632x128xf32, #tpu.memory_space<hbm>>
      %dma_start3A_165 = tpu.memref_squeeze %dma_start3A_164 : memref<1x632x128xf32, #tpu.memory_space<hbm>> -> memref<632x128xf32, #tpu.memory_space<hbm>>
      %dma_start3A_166 = arith.constant 0 : i32
      %dma_start3A_167 = tpu.memref_slice %arg10[%mul3A_160, %dma_start3A_166] : memref<10112x128xf32, #tpu.memory_space<vmem_shared>> -> memref<632x128xf32, #tpu.memory_space<vmem_shared>>
      tpu.enqueue_dma source(%dma_start3A_167 : memref<632x128xf32, #tpu.memory_space<vmem_shared>>) target(%dma_start3A_165 : memref<632x128xf32, #tpu.memory_space<hbm>>) target_semaphore(%run_scoped3A : memref<!tpu.dma_semaphore, #tpu.memory_space<semaphore_mem>>)
      %dma_wait3A_168 = arith.constant 0 : i32
      %dma_wait3A_169 = tpu.memref_slice %arg6[%arg0, %mul3A_162, %dma_wait3A_168] : memref<2x10112x128xf32, #tpu.memory_space<hbm>> -> memref<1x632x128xf32, #tpu.memory_space<hbm>>
      %dma_wait3A_170 = tpu.memref_squeeze %dma_wait3A_169 : memref<1x632x128xf32, #tpu.memory_space<hbm>> -> memref<632x128xf32, #tpu.memory_space<hbm>>
      %dma_wait3A_171 = arith.constant 0 : i32
      %dma_wait3A_172 = tpu.memref_slice %arg10[%mul3A_160, %dma_wait3A_171] : memref<10112x128xf32, #tpu.memory_space<vmem_shared>> -> memref<632x128xf32, #tpu.memory_space<vmem_shared>>
      tpu.wait_dma2 semaphore(%run_scoped3A : memref<!tpu.dma_semaphore, #tpu.memory_space<semaphore_mem>>) src(%dma_wait3A_172 : memref<632x128xf32, #tpu.memory_space<vmem_shared>>) dst(%dma_wait3A_170 : memref<632x128xf32, #tpu.memory_space<hbm>>)
      tpu.yield
    }) : () -> ()
    return
  }
}

module attributes {stable_mosaic.version = 14 : i64} {
  func.func @_mlp_kernel(%arg0: memref<2x10112x128xf32, #tpu.memory_space<vmem>>, %arg1: memref<10000x128xf32, #tpu.memory_space<vmem>>, %arg2: memref<1x1xf32, #tpu.memory_space<vmem>>, %arg3: memref<128x128xf32, #tpu.memory_space<vmem>>, %arg4: memref<1x128xf32, #tpu.memory_space<vmem>>, %arg5: memref<1x128xf32, #tpu.memory_space<vmem>>, %arg6: memref<1x128xf32, #tpu.memory_space<vmem>>, %arg7: memref<128x128xf32, #tpu.memory_space<vmem>>, %arg8: memref<1x128xf32, #tpu.memory_space<vmem>>, %arg9: memref<1x128xf32, #tpu.memory_space<vmem>>, %arg10: memref<1x128xf32, #tpu.memory_space<vmem>>, %arg11: memref<10000x128xf32, #tpu.memory_space<vmem>>) attributes {dimension_semantics = [], scalar_prefetch = 0 : i64, scratch_operands = 0 : i64, tpu.core_type = #tpu.core_type<tc>} {
    %get3A = arith.constant 0 : index
    %get3A_0 = arith.constant 0 : index
    %get3A_1 = arith.constant 0 : index
    %get3A_2 = vector.load %arg0[%get3A, %get3A_0, %get3A_1] : memref<2x10112x128xf32, #tpu.memory_space<vmem>>, vector<1x10000x128xf32>
    %get3A_3 = vector.shape_cast %get3A_2 : vector<1x10000x128xf32> to vector<10000x128xf32>
    %get3A_4 = arith.constant 1 : index
    %get3A_5 = arith.constant 0 : index
    %get3A_6 = arith.constant 0 : index
    %get3A_7 = vector.load %arg0[%get3A_4, %get3A_5, %get3A_6] : memref<2x10112x128xf32, #tpu.memory_space<vmem>>, vector<1x10000x128xf32>
    %get3A_8 = vector.shape_cast %get3A_7 : vector<1x10000x128xf32> to vector<10000x128xf32>
    %add3A = arith.addf %get3A_3, %get3A_8 : vector<10000x128xf32>
    %get3A_9 = arith.constant 0 : index
    %get3A_10 = arith.constant 0 : index
    %get3A_11 = vector.load %arg2[%get3A_9, %get3A_10] : memref<1x1xf32, #tpu.memory_space<vmem>>, vector<1x1xf32>
    %get3A_12 = vector.extract %get3A_11[0, 0] : f32 from vector<1x1xf32>
    %add3A_13 = arith.constant 1.000000e+00 : f32
    %add3A_14 = arith.addf %add3A_13, %get3A_12 : f32
    %get3A_15 = arith.constant 0 : index
    %get3A_16 = arith.constant 0 : index
    %get3A_17 = vector.load %arg1[%get3A_15, %get3A_16] : memref<10000x128xf32, #tpu.memory_space<vmem>>, vector<10000x128xf32>
    %mul3A = vector.broadcast %add3A_14 : f32 to vector<10000x128xf32>
    %mul3A_18 = arith.mulf %mul3A, %get3A_17 : vector<10000x128xf32>
    %add3A_19 = arith.addf %add3A, %mul3A_18 : vector<10000x128xf32>
    %get3A_20 = arith.constant 0 : index
    %get3A_21 = arith.constant 0 : index
    %get3A_22 = vector.load %arg3[%get3A_20, %get3A_21] : memref<128x128xf32, #tpu.memory_space<vmem>>, vector<128x128xf32>
    %dot_general3A = arith.constant dense<0.000000e+00> : vector<10000x128xf32>
    %dot_general3A_23 = tpu.matmul %add3A_19, %get3A_22, %dot_general3A {dimension_numbers = #tpu.dot_dimension_numbers<[1], [0], [0], [1], [0, 0, 1, 1], [], []>, transpose_lhs_hint = false} : vector<10000x128xf32>, vector<128x128xf32>, vector<10000x128xf32> -> vector<10000x128xf32>
    %get3A_24 = arith.constant 0 : index
    %get3A_25 = arith.constant 0 : index
    %get3A_26 = vector.load %arg4[%get3A_24, %get3A_25] : memref<1x128xf32, #tpu.memory_space<vmem>>, vector<1x128xf32>
    %add3A_27 = vector.broadcast %get3A_26 : vector<1x128xf32> to vector<10000x128xf32>
    %add3A_28 = arith.addf %dot_general3A_23, %add3A_27 : vector<10000x128xf32>
    %reduce_sum3A = arith.constant dense<0.000000e+00> : vector<128xf32>
    %reduce_sum3A_29 = vector.multi_reduction <add>, %add3A_28, %reduce_sum3A [0] : vector<10000x128xf32> to vector<128xf32>
    %broadcast_in_dim3A = vector.shape_cast %reduce_sum3A_29 : vector<128xf32> to vector<1x128xf32>
    %div3A = arith.constant 1.000000e+04 : f32
    %div3A_30 = vector.broadcast %div3A : f32 to vector<1x128xf32>
    %div3A_31 = arith.divf %broadcast_in_dim3A, %div3A_30 : vector<1x128xf32>
    %sub3A = vector.broadcast %div3A_31 : vector<1x128xf32> to vector<10000x128xf32>
    %sub3A_32 = arith.subf %add3A_28, %sub3A : vector<10000x128xf32>
    %integer_pow3A = arith.mulf %sub3A_32, %sub3A_32 : vector<10000x128xf32>
    %reduce_sum3A_33 = arith.constant dense<0.000000e+00> : vector<128xf32>
    %reduce_sum3A_34 = vector.multi_reduction <add>, %integer_pow3A, %reduce_sum3A_33 [0] : vector<10000x128xf32> to vector<128xf32>
    %broadcast_in_dim3A_35 = vector.shape_cast %reduce_sum3A_34 : vector<128xf32> to vector<1x128xf32>
    %div3A_36 = arith.constant 1.000000e+04 : f32
    %div3A_37 = vector.broadcast %div3A_36 : f32 to vector<1x128xf32>
    %div3A_38 = arith.divf %broadcast_in_dim3A_35, %div3A_37 : vector<1x128xf32>
    %sub3A_39 = vector.broadcast %div3A_31 : vector<1x128xf32> to vector<10000x128xf32>
    %sub3A_40 = arith.subf %add3A_28, %sub3A_39 : vector<10000x128xf32>
    %add3A_41 = arith.constant 9.99999974E-6 : f32
    %add3A_42 = vector.broadcast %add3A_41 : f32 to vector<1x128xf32>
    %add3A_43 = arith.addf %div3A_38, %add3A_42 : vector<1x128xf32>
    %rsqrt3A = math.rsqrt %add3A_43 : vector<1x128xf32>
    %mul3A_44 = vector.broadcast %rsqrt3A : vector<1x128xf32> to vector<10000x128xf32>
    %mul3A_45 = arith.mulf %sub3A_40, %mul3A_44 : vector<10000x128xf32>
    %get3A_46 = arith.constant 0 : index
    %get3A_47 = arith.constant 0 : index
    %get3A_48 = vector.load %arg5[%get3A_46, %get3A_47] : memref<1x128xf32, #tpu.memory_space<vmem>>, vector<1x128xf32>
    %mul3A_49 = vector.broadcast %get3A_48 : vector<1x128xf32> to vector<10000x128xf32>
    %mul3A_50 = arith.mulf %mul3A_45, %mul3A_49 : vector<10000x128xf32>
    %get3A_51 = arith.constant 0 : index
    %get3A_52 = arith.constant 0 : index
    %get3A_53 = vector.load %arg6[%get3A_51, %get3A_52] : memref<1x128xf32, #tpu.memory_space<vmem>>, vector<1x128xf32>
    %add3A_54 = vector.broadcast %get3A_53 : vector<1x128xf32> to vector<10000x128xf32>
    %add3A_55 = arith.addf %mul3A_50, %add3A_54 : vector<10000x128xf32>
    %max3A = arith.constant 0.000000e+00 : f32
    %max3A_56 = vector.broadcast %max3A : f32 to vector<10000x128xf32>
    %max3A_57 = arith.maximumf %add3A_55, %max3A_56 : vector<10000x128xf32>
    %get3A_58 = arith.constant 0 : index
    %get3A_59 = arith.constant 0 : index
    %get3A_60 = vector.load %arg7[%get3A_58, %get3A_59] : memref<128x128xf32, #tpu.memory_space<vmem>>, vector<128x128xf32>
    %dot_general3A_61 = arith.constant dense<0.000000e+00> : vector<10000x128xf32>
    %dot_general3A_62 = tpu.matmul %max3A_57, %get3A_60, %dot_general3A_61 {dimension_numbers = #tpu.dot_dimension_numbers<[1], [0], [0], [1], [0, 0, 1, 1], [], []>, transpose_lhs_hint = false} : vector<10000x128xf32>, vector<128x128xf32>, vector<10000x128xf32> -> vector<10000x128xf32>
    %get3A_63 = arith.constant 0 : index
    %get3A_64 = arith.constant 0 : index
    %get3A_65 = vector.load %arg8[%get3A_63, %get3A_64] : memref<1x128xf32, #tpu.memory_space<vmem>>, vector<1x128xf32>
    %add3A_66 = vector.broadcast %get3A_65 : vector<1x128xf32> to vector<10000x128xf32>
    %add3A_67 = arith.addf %dot_general3A_62, %add3A_66 : vector<10000x128xf32>
    %reduce_sum3A_68 = arith.constant dense<0.000000e+00> : vector<128xf32>
    %reduce_sum3A_69 = vector.multi_reduction <add>, %add3A_67, %reduce_sum3A_68 [0] : vector<10000x128xf32> to vector<128xf32>
    %broadcast_in_dim3A_70 = vector.shape_cast %reduce_sum3A_69 : vector<128xf32> to vector<1x128xf32>
    %div3A_71 = arith.constant 1.000000e+04 : f32
    %div3A_72 = vector.broadcast %div3A_71 : f32 to vector<1x128xf32>
    %div3A_73 = arith.divf %broadcast_in_dim3A_70, %div3A_72 : vector<1x128xf32>
    %sub3A_74 = vector.broadcast %div3A_73 : vector<1x128xf32> to vector<10000x128xf32>
    %sub3A_75 = arith.subf %add3A_67, %sub3A_74 : vector<10000x128xf32>
    %integer_pow3A_76 = arith.mulf %sub3A_75, %sub3A_75 : vector<10000x128xf32>
    %reduce_sum3A_77 = arith.constant dense<0.000000e+00> : vector<128xf32>
    %reduce_sum3A_78 = vector.multi_reduction <add>, %integer_pow3A_76, %reduce_sum3A_77 [0] : vector<10000x128xf32> to vector<128xf32>
    %broadcast_in_dim3A_79 = vector.shape_cast %reduce_sum3A_78 : vector<128xf32> to vector<1x128xf32>
    %div3A_80 = arith.constant 1.000000e+04 : f32
    %div3A_81 = vector.broadcast %div3A_80 : f32 to vector<1x128xf32>
    %div3A_82 = arith.divf %broadcast_in_dim3A_79, %div3A_81 : vector<1x128xf32>
    %sub3A_83 = vector.broadcast %div3A_73 : vector<1x128xf32> to vector<10000x128xf32>
    %sub3A_84 = arith.subf %add3A_67, %sub3A_83 : vector<10000x128xf32>
    %add3A_85 = arith.constant 9.99999974E-6 : f32
    %add3A_86 = vector.broadcast %add3A_85 : f32 to vector<1x128xf32>
    %add3A_87 = arith.addf %div3A_82, %add3A_86 : vector<1x128xf32>
    %rsqrt3A_88 = math.rsqrt %add3A_87 : vector<1x128xf32>
    %mul3A_89 = vector.broadcast %rsqrt3A_88 : vector<1x128xf32> to vector<10000x128xf32>
    %mul3A_90 = arith.mulf %sub3A_84, %mul3A_89 : vector<10000x128xf32>
    %get3A_91 = arith.constant 0 : index
    %get3A_92 = arith.constant 0 : index
    %get3A_93 = vector.load %arg9[%get3A_91, %get3A_92] : memref<1x128xf32, #tpu.memory_space<vmem>>, vector<1x128xf32>
    %mul3A_94 = vector.broadcast %get3A_93 : vector<1x128xf32> to vector<10000x128xf32>
    %mul3A_95 = arith.mulf %mul3A_90, %mul3A_94 : vector<10000x128xf32>
    %get3A_96 = arith.constant 0 : index
    %get3A_97 = arith.constant 0 : index
    %get3A_98 = vector.load %arg10[%get3A_96, %get3A_97] : memref<1x128xf32, #tpu.memory_space<vmem>>, vector<1x128xf32>
    %add3A_99 = vector.broadcast %get3A_98 : vector<1x128xf32> to vector<10000x128xf32>
    %add3A_100 = arith.addf %mul3A_95, %add3A_99 : vector<10000x128xf32>
    %max3A_101 = arith.constant 0.000000e+00 : f32
    %max3A_102 = vector.broadcast %max3A_101 : f32 to vector<10000x128xf32>
    %max3A_103 = arith.maximumf %add3A_100, %max3A_102 : vector<10000x128xf32>
    %swap3A = arith.constant 0 : index
    %swap3A_104 = arith.constant 0 : index
    %swap3A_105 = vector.load %arg11[%swap3A, %swap3A_104] : memref<10000x128xf32, #tpu.memory_space<vmem>>, vector<10000x128xf32>
    tpu.vector_store %arg11[%swap3A, %swap3A_104], %max3A_103 {strides = array<i32>} : memref<10000x128xf32, #tpu.memory_space<vmem>>, vector<10000x128xf32>,
    return
  }
}

</mosaic_0001>

<sc_bundles>
// kernel: kernel.4.cloned.1.call-start
scs
__scs_entry_jumppad:
0x0: {  	(pc) =	sbr.rel $0x88, $3  }
0x1: {  	(tag) =	ssettag $0x0;
	lr =	simm.s32 $0x1  }
0x2: {  	[smem:$0x3F96] =	sst lr;
	_ =	strace $0xD0000000  }
0x3: {  	_ = 	snop  }
0x4: {  	_ = 	snop  }
0x5: {  	_ = 	snop  }
0x6: {  	_ = 	snop  }
0x7: {  	_ = 	snop  }
__scs_overlays_trampoline_lowered:
0x8: {  	[smem:$0x3FA5] =	sst s0  }
0x9: {  	[smem:$0x3FA6] =	sst s1  }
0xa: {  	[smem:$0x3FA7] =	sst s2  }
0xb: {  	[smem:$0x3FA8] =	sst s3  }
0xc: {  	[smem:$0x3FA9] =	sst s4  }
0xd: {  	[smem:$0x3FAA] =	sst s5  }
0xe: {  	[smem:$0x3FAB] =	sst s6  }
0xf: {  	[smem:$0x3FAC] =	sst s7  }
0x10: {  	[smem:$0x3FAD] =	sst s8  }
0x11: {  	[smem:$0x3FAE] =	sst s9;
	s0 =	simm.s32 @!p0 $0x0  }
0x12: {  	s1 =	sld [smem:$0x3F94];
	s0 =	simm.s32 @p0 $0x1  }
0x13: {  	[smem:$0x3FAF] =	sst s0;
	s0 =	simm.s32 @!p1 $0x0  }
0x14: {  	s2 =	sld [smem:$0x3F93];
	s0 =	simm.s32 @p1 $0x1  }
0x15: {  	[smem:$0x3FB0] =	sst s0;
	s0 =	simm.s32 @!p2 $0x0  }
0x16: {  	s3 =	sld [smem:$0x3FDB];
	s0 =	simm.s32 @p2 $0x1  }
0x17: {  	s4 =	simm.s32 $0x1BF5;
	[smem:$0x3FB2] =	sst s0  }
0x18: {  	s0 =	sld [smem:$0x3F95];
	_ =	swait.ge [sflag:s4], $0x0  }
0x19: {  	s7 =	sld [smem:$0x3F96]  }
0x1a: {  	s8 =	sadd.s32 $0xFFFFE003, lr  }
0x1b: {  	s9 =	sadd.s32 $0xFFFFFEF7, lr;
	s5 =	simm.s32 $0xFFFFFFFF;
	p2 =	slt.u32 s8, $0xFFFFF086  }
0x1c: {  	p1 =	slt.u32 s9, $0xF7A;
	s5 =	simm.s32 @!p2 $0x0  }
0x1d: {  	s5 =	simm.s32 @p1 $0x1;
	p0 =	seq.s32 s7, s2  }
0x1e: {  	s7 =	smul.u32 @!p0 $0xF7A, s2;
	p2 =	seq.s32 @!p0 s5, $0x0  }
0x1f: {  	s9 =	smul.u32 $0xF7A, s1;
	s8 =	simm.s32 @!p0 $0x1BF5;
	p2 =	por !p2, p0  }
0x20: {  	[sflag:s8] =	ssyncset.s32 @!p0 $0xFFFFF086;
	s6 =	sadd.s32 @!p0 s3, s7;
	s7 =	simm.s32 @!p0 $0x108  }
0x21: {  	s3 =	sadd.s32 s3, s9;
	s6 =	sadd.s32 @!p0 $0x88, s6;
	s7 =	simm.s32 @p2 $0x1082  }
0x22: {  	[simem:s7], [sflag:s8] =	dma.local @!p0 [hbm:s6], $0xF7A  }
0x23: {  	s9 =	sor.u32 $0xD0000000, s2;
	s6 =	simm.s32 $0x108;
	_ =	swait.ge @!p0 [sflag:s8], $0x0  }
0x24: {  	s3 =	sadd.s32 $0x88, s3;
	s6 =	simm.s32 @!p1 $0x1082;
	[sflag:s4] =	ssyncset.s32 $0xFFFFF086  }
0x25: {  	[simem:s6], [sflag:s4] =	dma.local [hbm:s3], $0xF7A  }
0x26: {  	[smem:$0x3F96] =	sst s1;
	(tag) =	ssettag s2;
	_ =	strace s9  }
0x27: {  	s1 =	sld [smem:$0x3FA6]  }
0x28: {  	s2 =	sld [smem:$0x3FA7]  }
0x29: {  	s4 =	sld [smem:$0x3FA9]  }
0x2a: {  	p0 =	seq.s32 s5, $0x0;
	s5 =	sld [smem:$0x3FAA]  }
0x2b: {  	s6 =	sld [smem:$0x3FAB]  }
0x2c: {  	s7 =	sld [smem:$0x3FAC]  }
0x2d: {  	s3 =	simm.s32 $0x108;
	s8 =	sld [smem:$0x3FAD]  }
0x2e: {  	s3 =	simm.s32 @!p0 $0x1082;
	s9 =	sld [smem:$0x3FAE]  }
0x2f: {  	lr =	sadd.s32 s0, s3;
	s0 =	sld [smem:$0x3FA5]  }
0x30: {  	s3 =	sld [smem:$0x3FA8]  }
0x31: {  	[smem:$0x3FB1] =	sst s10  }
0x32: {  	s10 =	sld [smem:$0x3FAF];
	_ =	sdelay $0x3  }
0x33: {  	p0 =	seq.s32 s10, $0x1;
	s10 =	sld [smem:$0x3FB1];
	_ =	sdelay $0x3  }
0x34: {  	[smem:$0x3FB1] =	sst s10  }
0x35: {  	s10 =	sld [smem:$0x3FB0];
	_ =	sdelay $0x3  }
0x36: {  	p1 =	seq.s32 s10, $0x1;
	s10 =	sld [smem:$0x3FB1];
	_ =	sdelay $0x3  }
0x37: {  	[smem:$0x3FB1] =	sst s10  }
0x38: {  	s10 =	sld [smem:$0x3FB2]  }
0x39: {  	_ = 	snop;
	(pc) =	sbr.ind lr, $3  }
0x3a: {  	_ = 	snop  }
0x3b: {  	_ = 	snop  }
0x3c: {  	p2 =	seq.s32 s10, $0x1;
	s10 =	sld [smem:$0x3FB1]  }
0x3d: {  	_ =	shalt  }
0x3e: {  	_ =	shalt  }
0x3f: {  	_ =	shalt  }
0x40: {  	_ =	shalt  }
0x41: {  	_ =	shalt  }
0x42: {  	_ =	shalt  }
0x43: {  	_ =	shalt  }
0x44: {  	_ =	shalt  }
0x45: {  	_ =	shalt  }
0x46: {  	_ =	shalt  }
0x47: {  	_ =	shalt  }
0x48: {  	_ =	shalt  }
0x49: {  	_ =	shalt  }
0x4a: {  	_ =	shalt  }
0x4b: {  	_ =	shalt  }
0x4c: {  	_ =	shalt  }
0x4d: {  	_ =	shalt  }
0x4e: {  	_ =	shalt  }
0x4f: {  	_ =	shalt  }
0x50: {  	_ =	shalt  }
0x51: {  	_ =	shalt  }
0x52: {  	_ =	shalt  }
0x53: {  	_ =	shalt  }
0x54: {  	_ =	shalt  }
0x55: {  	_ =	shalt  }
0x56: {  	_ =	shalt  }
0x57: {  	_ =	shalt  }
0x58: {  	_ =	shalt  }
0x59: {  	_ =	shalt  }
0x5a: {  	_ =	shalt  }
0x5b: {  	_ =	shalt  }
0x5c: {  	_ =	shalt  }
0x5d: {  	_ =	shalt  }
0x5e: {  	_ =	shalt  }
0x5f: {  	_ =	shalt  }
0x60: {  	_ =	shalt  }
0x61: {  	_ =	shalt  }
0x62: {  	_ =	shalt  }
0x63: {  	_ =	shalt  }
0x64: {  	_ =	shalt  }
0x65: {  	_ =	shalt  }
0x66: {  	_ =	shalt  }
0x67: {  	_ =	shalt  }
0x68: {  	_ =	shalt  }
0x69: {  	_ =	shalt  }
0x6a: {  	_ =	shalt  }
0x6b: {  	_ =	shalt  }
0x6c: {  	_ =	shalt  }
0x6d: {  	_ =	shalt  }
0x6e: {  	_ =	shalt  }
0x6f: {  	_ =	shalt  }
0x70: {  	_ =	shalt  }
0x71: {  	_ =	shalt  }
0x72: {  	_ =	shalt  }
0x73: {  	_ =	shalt  }
0x74: {  	_ =	shalt  }
0x75: {  	_ =	shalt  }
0x76: {  	_ =	shalt  }
0x77: {  	_ =	shalt  }
0x78: {  	_ =	shalt  }
0x79: {  	_ =	shalt  }
0x7a: {  	_ =	shalt  }
0x7b: {  	_ =	shalt  }
0x7c: {  	_ =	shalt  }
0x7d: {  	_ =	shalt  }
0x7e: {  	_ =	shalt  }
0x7f: {  	_ =	shalt  }
0x80: {  	_ =	shalt  }
0x81: {  	_ =	shalt  }
0x82: {  	_ =	shalt  }
0x83: {  	_ =	shalt  }
0x84: {  	_ =	shalt  }
0x85: {  	_ =	shalt  }
0x86: {  	_ =	shalt  }
0x87: {  	_ =	shalt  }
.Lfunc_end0:
.L_simem_size_0:
called_computation_lowered:
.L_overlay_start_0:
0x88: {  	s2 =	sld [smem:$0x3FD9]  }
0x89: {  	s3 =	sld [smem:$0x3FFE];
	_ =	sdelay $0x1  }
0x8a: {  	s1 =	srdreg.scid  }
0x8b: {  	s0 =	sand.u32 $0x1, s1  }
0x8c: {  	s17 =	sshll.u32 s0, $0xA;
	s2 =	sadd.s32 s3, s2  }
0x8d: {  	s2 =	sadd.s32 s2, s17  }
0x8e: {  	[smem:$0x3FBD] =	sst s2  }
0x8f: {  	_ = 	snop  }
0x90: {  	s2 =	sld [smem:$0x3FD0];
	(tm) =	ssettm $0x1  }
0x91: {  	s18 =	sld [smem:$0x3FFB];
	_ =	sdelay $0x3  }
0x92: {  	_ =	strace s18  }
0x93: {  	s3 =	sld [smem:$0x3FFC];
	_ =	sdelay $0x3  }
0x94: {  	_ =	strace s3  }
0x95: {  	s3 =	sld [smem:$0x3FFD];
	_ =	sdelay $0x3  }
0x96: {  	_ =	strace s3  }
0x97: {  	_ =	strace $0x8FFFFFFF  }
0x98: {  	s19 =	sld [smem:$0x3FDB];
	_ =	sdelay $0x1  }
0x99: {  	s4 =	simm.s32 $_scs_section_size  }
0x9a: {  	s5 =	simm.s32 $_size__tile_overlayer_lowered;
	s6 =	simm.s32 $_tile_overlayer_lowered  }
0x9b: {  	s22 =	simm.s32 $0x1BFF;
	s21 =	sshll.u32 s6, $0x1;
	s3 =	sadd.s32 s4, s19  }
0x9c: {  	s7 =	simm.s32 $0x0;
	s20 =	sshll.u32 s5, $0x1;
	s5 =	sadd.s32 s21, s3  }
0x9d: {  	[timem:s7], [sflag:s22] =	dma.local [hbm:s5], s20  }
0x9e: {  	_ =	swait.ge [sflag:s22], s20  }
0x9f: {  	s4 =	ssub.s32 $0x0, s20;
	[sflag:s22] =	ssyncset.done $0x0  }
0xa0: {  	[sflag:s22] =	ssyncadd.s32 s4;
	_ =	sdelay $0x1  }
0xa1: {  	s23 =	simm.s32 $0x1B8B  }
0xa2: {  	_ =	swait.ge [sflag:s23], $0x1  }
0xa3: {  	[sflag:s23] =	ssyncset.done $0x0  }
0xa4: {  	s25 =	simm.s32 $0x1B8E;
	s24 =	sld [smem:$0x3FFE];
	[sflag:s23] =	ssyncadd.s32 $0xFFFFFFFF  }
0xa5: {  	s26 =	simm.s32 $execute0_lowered;
	[smem:$0x3FD2] =	sst s25  }
0xa6: {  	s5 =	sshll.u32 s26, $0x1;
	_ =	strace $0x80000046;
	[dreg:$0x1] =	wrdreg $0xFFFFFFFF  }
0xa7: {  	s28 =	simm.s32 $_size_execute0_lowered;
	s3 =	sadd.s32 s3, s5;
	[dreg:$0x0] =	wrdreg $0x0  }
0xa8: {  	s5 =	sshll.u32 s28, $0x1;
	[dreg:$0x2] =	wrdreg s3  }
0xa9: {  	[dreg:$0x3] =	wrdreg s5  }
0xaa: {  	[dreg:$0x4] =	wrdreg $0xC0  }
0xab: {  	_ =	task [dreg:s7], $0x5FFFF  }
0xac: {  	[dreg:$0x1] =	wrdreg $0xFFFFFFFF  }
0xad: {  	[dreg:$0x0] =	wrdreg $0x60  }
0xae: {  	[dreg:$0x2] =	wrdreg s2  }
0xaf: {  	[dreg:$0x3] =	wrdreg s24  }
0xb0: {  	[dreg:$0x4] =	wrdreg $0x82000  }
0xb1: {  	[dreg:$0x5] =	wrdreg $0x9  }
0xb2: {  	_ =	task.clear_ibuf [dreg:s7], $0x6FFFF;
	_ =	strace $0x90000046  }
0xb3: {  	s29 =	simm.s32 $0x9;
	_ =	strace $0x80000048  }
0xb4: {  	_ =	swait.ge [sflag:s29], $0x1  }
0xb5: {  	[sflag:s29] =	ssyncadd.s32 $0xFFFFFFFF  }
0xb6: {  	_ =	strace $0x90000048  }
0xb7: {  	_ =	sfence  }
0xb8: {  	s30 =	sld [smem:$0x0];
	_ =	sdelay $0x2  }
0xb9: {  	s31 =	sshll.u32 s1, $0xD;
	s1 =	sshrl.u32 s1, $0x2  }
0xba: {  	s3 =	sand.u32 $0x4000, s31;
	s1 =	sadd.s32 s1, s30  }
0xbb: {  	s0 =	sor.u32 s3, s0;
	s1 =	sshll.u32 s1, $0x11  }
0xbc: {  	s0 =	sor.u32 s1, s0  }
0xbd: {  	s0 =	sadd.s32 $0x8F2B, s0  }
0xbe: {  	[sflag:s0] =	ssyncadd.remote.s32 $0x1  }
0xbf: {  	_ =	sfence.sel $0xFFFF  }
0xc0: {  	[dreg:$0x0] =	wrdreg $0xFFFFFFFF;
	(pc) =	sbr.abs _section_cstart, $3  }
0xc1: {  	[dreg:$0x1] =	wrdreg $0xFFFFFFFF  }
0xc2: {  	_ =	task.clear_ibuf [dreg:s7], $0x2FFFF;
	_ =	strace $0x9FFFFFFF  }
0xc3: {  	(tm) =	ssettm $0x7FFFFFFF  }
tec
execute0_lowered:
.L_overlay_start_1:
0x0: {  	(tag) =	ssettag $0x1  }
0x1: {  	s1 =	rddreg [dreg:$0x0]  }
0x2: {  	s0 =	rddreg [dreg:$0x1]  }
0x3: {  	s13 =	stileid.u32;
	s2 =	srdreg.scid  }
0x4: {  	s3 =	rddreg [dreg:$0x2];
	s4 =	simm.s32 $0x0;
	s28 =	simm.s32 $0x2  }
0x5: {  	s29 =	simm.s32 $0x4200;
	s30 =	simm.s32 $0x100;
	s6 =	smul.u32 $0x13C00, s13  }
0x6: {  	s2 =	sand.u32 $0x1, s2;
	[smem:$0x7FF] =	sst s4;
	s22 =	smul.u32 $0x4F000, s13  }
0x7: {  	s10 =	sshll.u32 s13, $0x1;
	s24 =	sshll.u32 s13, $0x6;
	s13 =	smul.u32 $0x280000, s13  }
0x8: {  	s31 =	simm.s32 $0x5;
	s5 =	smul.u32 $0x13C000, s2;
	_ =	strace $0x80000047  }
0x9: {  	s9 =	ssub.s32 $0x2, s2;
	s10 =	sor.u32 s2, s10;
	s18 =	sor.u32 $0x1C07, s24  }
0xa: {  	s2 =	smul.u32 $0x140000, s2;
	s11 =	sshrl.u32 s9, $0x1;
	[dreg:$0x6] =	wrdreg s18  }
0xb: {  	s7 =	sadd.s32 s6, s5;
	s5 =	sadd.s32 $0x28E00, s0;
	s6 =	sshrl.u32 s6, $0x3  }
0xc: {  	s11 =	ssub.s32 s9, s11;
	s2 =	sadd.s32 s2, s13;
	s7 =	sshrl.u32 s7, $0x3  }
0xd: {  	s6 =	sadd.s32 s6, s0;
	s20 =	sor.u32 $0x4000, s2;
	s21 =	smax.u32 s11, $0x1  }
0xe: {  	s24 =	sor.u32 $0xC000, s2;
	s8 =	sadd.s32 s7, s0;
	s0 =	sadd.s32 $0x5A600, s0  }
0xf: {  	s7 =	sshrl.u32 s22, $0x2;
	s23 =	sadd.s32 $0x1600, s6;
	[dreg:$0xe] =	wrdreg s21  }
0x10: {  	s6 =	sadd.s32 $0x32E00, s6;
	s22 =	sshrl.u32 s2, $0x3;
	[dreg:$0x5] =	wrdreg s23  }
0x11: {  	s7 =	sadd.s32 s7, s3;
	[dreg:$0x9] =	wrdreg s6;
	s19 =	sadd.s32 $0x55A600, s8  }
0x12: {  	s23 =	sadd.s32 s22, s0;
	[dreg:$0x4] =	wrdreg s7;
	s7 =	smul.u32 $0x2800, s10  }
0x13: {  	s8 =	simm.s32 $0x4;
	s10 =	smul.u32 $0x140000, s10;
	[dreg:$0xd] =	wrdreg s19  }
0x14: {  	[dreg:$0x10] =	wrdreg s23;
	s23 =	simm.s32 $0x7;
	s12 =	sshrl.u32 s7, $0x3  }
0x15: {  	s17 =	sshrl.u32 s10, $0x3;
	s10 =	simm.s32 $0x0;
	s25 =	sadd.s32 s1, s12  }
0x16: {  	s14 =	sor.u32 $0x10, s12;
	s15 =	sadd.s32 s5, s12;
	[dreg:$0x7] =	wrdreg s25  }
0x17: {  	s6 =	sadd.s32 s0, s17;
	s26 =	sadd.s32 s1, s14;
	[dreg:$0xa] =	wrdreg s15  }
0x18: {  	s16 =	sadd.s32 s5, s14;
	[dreg:$0xc] =	wrdreg s6;
	s6 =	sshrl.u32 s20, $0x3  }
0x19: {  	s25 =	sor.u32 $0x8000, s2;
	s2 =	sor.u32 $0x10000, s2;
	[dreg:$0x8] =	wrdreg s26  }
0x1a: {  	[dreg:$0xb] =	wrdreg s16;
	s6 =	sadd.s32 s6, s0;
	s26 =	sshrl.u32 s25, $0x3  }
0x1b: {  	s2 =	sshrl.u32 s2, $0x3;
	[dreg:$0xf] =	wrdreg s6;
	s6 =	sshrl.u32 s24, $0x3  }
0x1c: {  	s21 =	sadd.s32 s26, s0;
	s24 =	simm.s32 $0x80;
	s26 =	simm.s32 $0x200  }
0x1d: {  	s17 =	sadd.s32 s6, s0;
	s0 =	sadd.s32 s2, s0;
	s2 =	simm.s32 $0x3  }
0x1e: {  	s6 =	simm.s32 $0x6;
	[dreg:$0x11] =	wrdreg s0;
	s0 =	simm.s32 $0x180  }
.LBB2_1:
0x1f: {  	s9 =	rddreg [dreg:$0x4]  }
0x20: {  	s15 =	rddreg [dreg:$0x5];
	s11 =	sshrl.u32 s9, $0x3  }
0x21: {  	[spmem:s11], [sflag:s18] =	dma.local [hbm:s15], $0x2780  }
0x22: {  	_ =	swait.ge [sflag:s23], $0x2780  }
0x23: {  	[sflag:s23] =	ssyncset.done $0x0  }
0x24: {  	s16 =	rddreg [dreg:$0x7];
	[sflag:s23] =	ssyncadd.s32 $0xFFFFD880  }
0x25: {  	[tilespmem:s4], [sflag:$0x1] =	stream.linear.gather [hbm4b:s16+s4], $0x80, $0x38;
	[tilespmem:$0x1BE00] =	vst v63  }
0x26: {  	s19 =	rddreg [dreg:$0x8]  }
0x27: {  	[tilespmem:s24], [sflag:$0x2] =	stream.linear.gather [hbm4b:s19+s4], $0x80, $0x38;
	[tilespmem:$0x1BE00] =	vst v63  }
0x28: {  	s20 =	simm.s32 $0x1;
	[bflag:$0x0] =	sbarrier.arrive $0xFFFF  }
0x29: {  	_ =	swait.ge [sflag:s20], $0x80  }
0x2a: {  	s12 =	simm.s32 $0x0;
	[sflag:s20] =	ssyncset.done $0x0  }
0x2b: {  	s13 =	simm.s32 $0x100;
	s12 =	sand.u32 $0x3C00, s12;
	[sflag:s20] =	ssyncadd.s32 $0xFFFFFF80  }
0x2c: {  	[tilespmem:s26], [sflag:$0x5] =	stream.indirect.gather [spmem:s3], $0x80, s4, s24, $0xb8;
	[tilespmem:$0x1BE00] =	vst v63  }
0x2d: {  	s13 =	sand.u32 $0x300, s13;
	s12 =	sadd.s32 s7, s12;
	_ =	swait.ge [sflag:s28], $0x80  }
0x2e: {  	s13 =	sor.u32 s12, s13;
	[sflag:s28] =	ssyncset.done $0x0  }
0x2f: {  	s13 =	sshrl.u32 s13, $0x3;
	[sflag:s28] =	ssyncadd.s32 $0xFFFFFF80  }
0x30: {  	[tilespmem:s29], [sflag:$0x6] =	stream.indirect.gather [spmem:s3], $0x80, s24, s24, $0xb8;
	[tilespmem:$0x1BE00] =	vst v63  }
0x31: {  	s13 =	sadd.s32 s1, s13  }
0x32: {  	[tilespmem:s30], [sflag:$0x3] =	stream.linear.gather [hbm4b:s13+s4], $0x80, $0x38;
	[tilespmem:$0x1BE00] =	vst v63  }
0x33: {  	_ =	swait.ge [sflag:s31], $0x4000  }
0x34: {  	[sflag:s31] =	ssyncset.done $0x0  }
0x35: {  	s16 =	rddreg [dreg:$0x10];
	[sflag:s31] =	ssyncadd.s32 $0xFFFFC000  }
0x36: {  	[hbm4b:s16+s4] =	stream.linear.scatter [tilespmem:s26], [sflag:$0x7], $0x4000, $0x38;
	[tilespmem:$0x1BE00] =	vst v63  }
0x37: {  	_ =	swait.ge [sflag:s23], $0x4000  }
0x38: {  	[sflag:s23] =	ssyncset.done $0x0  }
0x39: {  	s22 =	simm.s32 $0x180;
	[sflag:s23] =	ssyncadd.s32 $0xFFFFC000  }
0x3a: {  	s13 =	sand.u32 $0x380, s22;
	_ =	swait.ge [sflag:s2], $0x80  }
0x3b: {  	s12 =	sor.u32 s12, s13;
	[sflag:s2] =	ssyncset.done $0x0  }
0x3c: {  	s12 =	sshrl.u32 s12, $0x3;
	[sflag:s2] =	ssyncadd.s32 $0xFFFFFF80  }
0x3d: {  	[tilespmem:s26], [sflag:$0x5] =	stream.indirect.gather [spmem:s3], $0x80, s30, s24, $0xb8;
	[tilespmem:$0x1BE00] =	vst v63  }
0x3e: {  	s12 =	sadd.s32 s1, s12  }
0x3f: {  	[tilespmem:s0], [sflag:$0x4] =	stream.linear.gather [hbm4b:s12+s4], $0x80, $0x38;
	[tilespmem:$0x1BE00] =	vst v63  }
0x40: {  	_ =	swait.ge [sflag:s6], $0x4000  }
0x41: {  	[sflag:s6] =	ssyncset.done $0x0  }
0x42: {  	s25 =	rddreg [dreg:$0xf];
	[sflag:s6] =	ssyncadd.s32 $0xFFFFC000  }
0x43: {  	[hbm4b:s25+s4] =	stream.linear.scatter [tilespmem:s29], [sflag:$0x7], $0x4000, $0x38;
	[tilespmem:$0x1BE00] =	vst v63  }
0x44: {  	p0 =	por $0x0, $0x0;
	_ =	swait.ge [sflag:s23], $0x4000  }
0x45: {  	s12 =	simm.s32 @!p0 $0x200;
	[sflag:s23] =	ssyncset.done $0x0  }
0x46: {  	s13 =	sand.u32 @!p0 $0x7C00, s12;
	[sflag:s23] =	ssyncadd.s32 $0xFFFFC000  }
0x47: {  	s12 =	sand.u32 @!p0 $0x200, s12;
	s13 =	sadd.s32 @!p0 s7, s13;
	_ =	swait.ge [sflag:s8], $0x80  }
0x48: {  	s12 =	sor.u32 @!p0 s12, s13;
	[sflag:s8] =	ssyncset.done $0x0  }
0x49: {  	s12 =	sshrl.u32 @!p0 s12, $0x3;
	[sflag:s8] =	ssyncadd.s32 $0xFFFFFF80  }
0x4a: {  	[tilespmem:s29], [sflag:$0x6] =	stream.indirect.gather [spmem:s3], $0x80, s0, s24, $0xb8;
	[tilespmem:$0x1BE00] =	vst v63  }
0x4b: {  	s13 =	simm.s32 @!p0 $0x0;
	s12 =	sadd.s32 @!p0 s1, s12  }
0x4c: {  	[tilespmem:s13], [sflag:$0x1] =	stream.linear.gather @!p0 [hbm4b:s12+s13], $0x80, $0x38;
	[tilespmem:$0x1BE00] =	vst v63  }
0x4d: {  	_ =	swait.ge [sflag:s31], $0x4000  }
0x4e: {  	[sflag:s31] =	ssyncset.done $0x0  }
0x4f: {  	[sflag:s31] =	ssyncadd.s32 $0xFFFFC000  }
0x50: {  	[hbm4b:s21+s4] =	stream.linear.scatter [tilespmem:s26], [sflag:$0x7], $0x4000, $0x38;
	[tilespmem:$0x1BE00] =	vst v63  }
0x51: {  	_ =	swait.ge [sflag:s23], $0x4000  }
0x52: {  	s12 =	simm.s32 $0x280;
	[sflag:s23] =	ssyncset.done $0x0  }
0x53: {  	s15 =	simm.s32 @!p0 $0x1;
	s14 =	sand.u32 @!p0 $0x7C00, s12;
	[sflag:s23] =	ssyncadd.s32 $0xFFFFC000  }
0x54: {  	s12 =	sand.u32 @!p0 $0x280, s12;
	s14 =	sadd.s32 @!p0 s7, s14;
	_ =	swait.ge @!p0 [sflag:s15], $0x80  }
0x55: {  	s12 =	sor.u32 @!p0 s12, s14;
	s14 =	simm.s32 @!p0 $0x80;
	[sflag:s15] =	ssyncset.done @!p0 $0x0  }
0x56: {  	s12 =	sshrl.u32 @!p0 s12, $0x3;
	[sflag:s15] =	ssyncadd.s32 @!p0 $0xFFFFFF80;
	s15 =	simm.s32 @!p0 $0x200  }
0x57: {  	[tilespmem:s15], [sflag:$0x5] =	stream.indirect.gather @!p0 [spmem:s3], $0x80, s13, s14, $0xb8;
	[tilespmem:$0x1BE00] =	vst v63  }
0x58: {  	s12 =	sadd.s32 @!p0 s1, s12  }
0x59: {  	[tilespmem:s14], [sflag:$0x2] =	stream.linear.gather @!p0 [hbm4b:s12+s13], $0x80, $0x38;
	[tilespmem:$0x1BE00] =	vst v63  }
0x5a: {  	s20 =	smov.u32 s17;
	s16 =	sadd.s32 $0x2000, s16;
	_ =	swait.ge [sflag:s6], $0x4000  }
0x5b: {  	s15 =	sadd.s32 $0x2000, s25;
	s12 =	simm.s32 $0x480;
	[sflag:s6] =	ssyncset.done $0x0  }
0x5c: {  	s13 =	sadd.s32 $0x2000, s17;
	s14 =	sadd.s32 $0x2000, s21;
	[sflag:s6] =	ssyncadd.s32 $0xFFFFC000  }
.LBB2_2:
0x5d: {  	[hbm4b:s20+s4] =	stream.linear.scatter [tilespmem:s29], [sflag:$0x7], $0x4000, $0x38;
	[tilespmem:$0x1BE00] =	vst v63  }
0x5e: {  	s19 =	smov.u32 s12;
	s20 =	smov.u32 s13  }
0x5f: {  	s22 =	sadd.s32 $0xFFFFFD80, s12;
	s9 =	sadd.s32 $0xFFFFFF00, s12;
	_ =	swait.ge [sflag:s23], $0x4000  }
0x60: {  	s25 =	sadd.s32 $0xFFFFFE80, s12;
	s22 =	sand.u32 $0x3C00, s22;
	[sflag:s23] =	ssyncset.done $0x0  }
0x61: {  	s25 =	sand.u32 $0x300, s25;
	s9 =	sand.u32 $0x380, s9;
	s22 =	sadd.s32 s7, s22  }
0x62: {  	s25 =	sor.u32 s22, s25;
	s9 =	sor.u32 s22, s9;
	[sflag:s23] =	ssyncadd.s32 $0xFFFFC000  }
0x63: {  	s22 =	sshrl.u32 s25, $0x3;
	s9 =	sshrl.u32 s9, $0x3;
	_ =	swait.ge [sflag:s28], $0x80  }
0x64: {  	s12 =	sadd.s32 $0x200, s12;
	s22 =	sadd.s32 s1, s22;
	[sflag:s28] =	ssyncset.done $0x0  }
0x65: {  	p0 =	sne.s32 s12, $0x2A80;
	[sflag:s28] =	ssyncadd.s32 $0xFFFFFF80  }
0x66: {  	[tilespmem:s29], [sflag:$0x6] =	stream.indirect.gather [spmem:s3], $0x80, s24, s24, $0xb8;
	[tilespmem:$0x1BE00] =	vst v63  }
0x67: {  	_ = 	snop  }
0x68: {  	[tilespmem:s30], [sflag:$0x3] =	stream.linear.gather [hbm4b:s22+s4], $0x80, $0x38;
	[tilespmem:$0x1BE00] =	vst v63  }
0x69: {  	_ =	swait.ge [sflag:s31], $0x4000  }
0x6a: {  	[sflag:s31] =	ssyncset.done $0x0  }
0x6b: {  	[sflag:s31] =	ssyncadd.s32 $0xFFFFC000  }
0x6c: {  	[hbm4b:s16+s4] =	stream.linear.scatter [tilespmem:s26], [sflag:$0x7], $0x4000, $0x38;
	[tilespmem:$0x1BE00] =	vst v63  }
0x6d: {  	_ =	swait.ge [sflag:s23], $0x4000  }
0x6e: {  	[sflag:s23] =	ssyncset.done $0x0  }
0x6f: {  	[sflag:s23] =	ssyncadd.s32 $0xFFFFC000  }
0x70: {  	_ =	swait.ge [sflag:s2], $0x80  }
0x71: {  	s9 =	sadd.s32 s1, s9;
	[sflag:s2] =	ssyncset.done $0x0  }
0x72: {  	[sflag:s2] =	ssyncadd.s32 $0xFFFFFF80  }
0x73: {  	[tilespmem:s26], [sflag:$0x5] =	stream.indirect.gather [spmem:s3], $0x80, s30, s24, $0xb8;
	[tilespmem:$0x1BE00] =	vst v63  }
0x74: {  	_ = 	snop  }
0x75: {  	[tilespmem:s0], [sflag:$0x4] =	stream.linear.gather [hbm4b:s9+s4], $0x80, $0x38;
	[tilespmem:$0x1BE00] =	vst v63  }
0x76: {  	_ =	swait.ge [sflag:s6], $0x4000  }
0x77: {  	p1 =	seq.s32 s19, $0x2880;
	[sflag:s6] =	ssyncset.done $0x0  }
0x78: {  	s22 =	sand.u32 @!p1 $0x7C00, s19;
	s9 =	sadd.s32 @!p1 $0xFFFFFF80, s19;
	[sflag:s6] =	ssyncadd.s32 $0xFFFFC000  }
0x79: {  	[hbm4b:s15+s4] =	stream.linear.scatter [tilespmem:s29], [sflag:$0x7], $0x4000, $0x38;
	[tilespmem:$0x1BE00] =	vst v63  }
0x7a: {  	s25 =	sand.u32 @!p1 $0x7C00, s9;
	s9 =	sand.u32 @!p1 $0x200, s9;
	_ =	swait.ge [sflag:s23], $0x4000  }
0x7b: {  	s22 =	sadd.s32 @!p1 s7, s22;
	s25 =	sadd.s32 @!p1 s7, s25;
	[sflag:s23] =	ssyncset.done $0x0  }
0x7c: {  	s19 =	sand.u32 @!p1 $0x280, s19;
	s9 =	sor.u32 @!p1 s9, s25;
	[sflag:s23] =	ssyncadd.s32 $0xFFFFC000  }
0x7d: {  	s19 =	sor.u32 @!p1 s19, s22;
	s9 =	sshrl.u32 @!p1 s9, $0x3;
	_ =	swait.ge [sflag:s8], $0x80  }
0x7e: {  	s22 =	simm.s32 @!p1 $0x0;
	s9 =	sadd.s32 @!p1 s1, s9;
	[sflag:s8] =	ssyncset.done $0x0  }
0x7f: {  	s19 =	sshrl.u32 @!p1 s19, $0x3;
	[sflag:s8] =	ssyncadd.s32 $0xFFFFFF80  }
0x80: {  	[tilespmem:s29], [sflag:$0x6] =	stream.indirect.gather [spmem:s3], $0x80, s0, s24, $0xb8;
	[tilespmem:$0x1BE00] =	vst v63  }
0x81: {  	s19 =	sadd.s32 @!p1 s1, s19  }
0x82: {  	[tilespmem:s22], [sflag:$0x1] =	stream.linear.gather @!p1 [hbm4b:s9+s22], $0x80, $0x38;
	[tilespmem:$0x1BE00] =	vst v63  }
0x83: {  	_ =	swait.ge [sflag:s31], $0x4000  }
0x84: {  	[sflag:s31] =	ssyncset.done $0x0  }
0x85: {  	[sflag:s31] =	ssyncadd.s32 $0xFFFFC000  }
0x86: {  	[hbm4b:s14+s4] =	stream.linear.scatter [tilespmem:s26], [sflag:$0x7], $0x4000, $0x38;
	[tilespmem:$0x1BE00] =	vst v63  }
0x87: {  	_ =	swait.ge [sflag:s23], $0x4000  }
0x88: {  	[sflag:s23] =	ssyncset.done $0x0  }
0x89: {  	s9 =	simm.s32 @!p1 $0x1;
	[sflag:s23] =	ssyncadd.s32 $0xFFFFC000  }
0x8a: {  	_ =	swait.ge @!p1 [sflag:s9], $0x80  }
0x8b: {  	[sflag:s9] =	ssyncset.done @!p1 $0x0  }
0x8c: {  	s25 =	simm.s32 @!p1 $0x200;
	[sflag:s9] =	ssyncadd.s32 @!p1 $0xFFFFFF80;
	s9 =	simm.s32 @!p1 $0x80  }
0x8d: {  	[tilespmem:s25], [sflag:$0x5] =	stream.indirect.gather @!p1 [spmem:s3], $0x80, s22, s9, $0xb8;
	[tilespmem:$0x1BE00] =	vst v63  }
.Ltmp0:
0x8e: {  	(pc) =	sbr.rel @p0 .LBB2_2-.Ltmp0, $4  }
0x8f: {  	[tilespmem:s9], [sflag:$0x2] =	stream.linear.gather @!p1 [hbm4b:s19+s22], $0x80, $0x38;
	[tilespmem:$0x1BE00] =	vst v63  }
0x90: {  	_ =	swait.ge [sflag:s6], $0x4000  }
0x91: {  	s13 =	sadd.s32 $0x2000, s13;
	s14 =	sadd.s32 $0x2000, s14;
	[sflag:s6] =	ssyncset.done $0x0  }
0x92: {  	s16 =	sadd.s32 $0x2000, s16;
	s15 =	sadd.s32 $0x2000, s15;
	[sflag:s6] =	ssyncadd.s32 $0xFFFFC000  }
0x93: {  	[hbm4b:s20+s4] =	stream.linear.scatter [tilespmem:s29], [sflag:$0x7], $0x4000, $0x38;
	[tilespmem:$0x1BE00] =	vst v63  }
0x94: {  	_ =	swait.ge [sflag:s23], $0x4000  }
0x95: {  	[sflag:s23] =	ssyncset.done $0x0  }
0x96: {  	[sflag:s23] =	ssyncadd.s32 $0xFFFFC000  }
0x97: {  	[bflag:$0x0] =	sbarrier.arrive $0xFFFF  }
0x98: {  	s9 =	rddreg [dreg:$0x9]  }
0x99: {  	[spmem:s11], [sflag:s18] =	dma.local [hbm:s9], $0x2780  }
0x9a: {  	_ =	swait.ge [sflag:s23], $0x2780  }
0x9b: {  	[sflag:s23] =	ssyncset.done $0x0  }
0x9c: {  	s15 =	rddreg [dreg:$0xa];
	[sflag:s23] =	ssyncadd.s32 $0xFFFFD880  }
0x9d: {  	[tilespmem:s4], [sflag:$0x1] =	stream.linear.gather [hbm4b:s15+s4], $0x80, $0x38;
	[tilespmem:$0x1BE00] =	vst v63  }
0x9e: {  	s16 =	rddreg [dreg:$0xb]  }
0x9f: {  	[tilespmem:s24], [sflag:$0x2] =	stream.linear.gather [hbm4b:s16+s4], $0x80, $0x38;
	[tilespmem:$0x1BE00] =	vst v63  }
0xa0: {  	s18 =	rddreg [dreg:$0xc]  }
0xa1: {  	[tilespmem:s26], [sflag:$0x5] =	stream.linear.gather [hbm4b:s18+s4], $0x4000, $0x38;
	[tilespmem:$0x1BE00] =	vst v63  }
0xa2: {  	s12 =	simm.s32 $0x1;
	[bflag:$0x0] =	sbarrier.arrive $0xFFFF  }
0xa3: {  	_ =	swait.ge [sflag:s12], $0x80  }
0xa4: {  	s19 =	simm.s32 $0x0;
	[sflag:s12] =	ssyncset.done $0x0  }
0xa5: {  	s20 =	simm.s32 $0x100;
	s9 =	sand.u32 $0x3C00, s19;
	[sflag:s12] =	ssyncadd.s32 $0xFFFFFF80  }
0xa6: {  	s9 =	sadd.s32 s7, s9;
	s12 =	sand.u32 $0x300, s20;
	_ =	swait.ge [sflag:s28], $0x80  }
0xa7: {  	s12 =	sor.u32 s9, s12;
	[sflag:s28] =	ssyncset.done $0x0  }
0xa8: {  	s12 =	sshrl.u32 s12, $0x3;
	s22 =	rddreg [dreg:$0xf];
	[sflag:s28] =	ssyncadd.s32 $0xFFFFFF80  }
0xa9: {  	[tilespmem:s29], [sflag:$0x6] =	stream.linear.gather [hbm4b:s22+s4], $0x4000, $0x38;
	[tilespmem:$0x1BE00] =	vst v63  }
0xaa: {  	s12 =	sadd.s32 s5, s12  }
0xab: {  	[tilespmem:s30], [sflag:$0x3] =	stream.linear.gather [hbm4b:s12+s4], $0x80, $0x38;
	[tilespmem:$0x1BE00] =	vst v63  }
0xac: {  	_ =	swait.ge [sflag:s31], $0x4000  }
0xad: {  	[sflag:s31] =	ssyncset.done $0x0  }
0xae: {  	[sflag:s31] =	ssyncadd.s32 $0xFFFFC000  }
0xaf: {  	[spmem:s3] =	stream.indirect.scatter.add.f32 [tilespmem:s26], [sflag:$0x7], $0x80, s4, s24, $0xb8;
	[tilespmem:$0x1BE00] =	vst v63  }
0xb0: {  	_ =	swait.ge [sflag:s23], $0x4000  }
0xb1: {  	[sflag:s23] =	ssyncset.done $0x0  }
0xb2: {  	s25 =	simm.s32 $0x180;
	[sflag:s23] =	ssyncadd.s32 $0xFFFFC000  }
0xb3: {  	s12 =	sand.u32 $0x380, s25;
	_ =	swait.ge [sflag:s2], $0x80  }
0xb4: {  	s9 =	sor.u32 s9, s12;
	[sflag:s2] =	ssyncset.done $0x0  }
0xb5: {  	s9 =	sshrl.u32 s9, $0x3;
	[sflag:s2] =	ssyncadd.s32 $0xFFFFFF80  }
0xb6: {  	[tilespmem:s26], [sflag:$0x5] =	stream.linear.gather [hbm4b:s21+s4], $0x4000, $0x38;
	[tilespmem:$0x1BE00] =	vst v63  }
0xb7: {  	s9 =	sadd.s32 s5, s9  }
0xb8: {  	[tilespmem:s0], [sflag:$0x4] =	stream.linear.gather [hbm4b:s9+s4], $0x80, $0x38;
	[tilespmem:$0x1BE00] =	vst v63  }
0xb9: {  	_ =	swait.ge [sflag:s6], $0x4000  }
0xba: {  	[sflag:s6] =	ssyncset.done $0x0  }
0xbb: {  	[sflag:s6] =	ssyncadd.s32 $0xFFFFC000  }
0xbc: {  	[spmem:s3] =	stream.indirect.scatter.add.f32 [tilespmem:s29], [sflag:$0x7], $0x80, s24, s24, $0xb8;
	[tilespmem:$0x1BE00] =	vst v63  }
0xbd: {  	p0 =	por $0x1, $0x1;
	_ =	swait.ge [sflag:s23], $0x4000  }
0xbe: {  	s9 =	simm.s32 @p0 $0x200;
	[sflag:s23] =	ssyncset.done $0x0  }
0xbf: {  	s12 =	sand.u32 @p0 $0x7C00, s9;
	[sflag:s23] =	ssyncadd.s32 $0xFFFFC000  }
0xc0: {  	s9 =	sand.u32 @p0 $0x200, s9;
	s12 =	sadd.s32 @p0 s7, s12;
	_ =	swait.ge [sflag:s8], $0x80  }
0xc1: {  	s9 =	sor.u32 @p0 s9, s12;
	[sflag:s8] =	ssyncset.done $0x0  }
0xc2: {  	s9 =	sshrl.u32 @p0 s9, $0x3;
	[sflag:s8] =	ssyncadd.s32 $0xFFFFFF80  }
0xc3: {  	[tilespmem:s29], [sflag:$0x6] =	stream.linear.gather [hbm4b:s17+s4], $0x4000, $0x38;
	[tilespmem:$0x1BE00] =	vst v63  }
0xc4: {  	s13 =	simm.s32 @p0 $0x0;
	s12 =	simm.s32 @p0 $0x5;
	s9 =	sadd.s32 @p0 s5, s9  }
0xc5: {  	[tilespmem:s13], [sflag:$0x1] =	stream.linear.gather @p0 [hbm4b:s9+s13], $0x80, $0x38;
	[tilespmem:$0x1BE00] =	vst v63  }
0xc6: {  	_ =	swait.ge @p0 [sflag:s12], $0x4000  }
0xc7: {  	s14 =	simm.s32 @p0 $0x200;
	s15 =	simm.s32 @p0 $0x100;
	[sflag:s12] =	ssyncset.done @p0 $0x0  }
0xc8: {  	s9 =	simm.s32 @p0 $0x7;
	[sflag:s12] =	ssyncadd.s32 @p0 $0xFFFFC000;
	s12 =	simm.s32 @p0 $0x80  }
0xc9: {  	[spmem:s3] =	stream.indirect.scatter.add.f32 @p0 [tilespmem:s14], [sflag:$0x7], $0x80, s15, s12, $0xb8;
	[tilespmem:$0x1BE00] =	vst v63  }
0xca: {  	_ =	swait.ge @p0 [sflag:s9], $0x4000  }
0xcb: {  	s15 =	simm.s32 $0x280;
	[sflag:s9] =	ssyncset.done @p0 $0x0  }
0xcc: {  	s16 =	sand.u32 @p0 $0x7C00, s15;
	[sflag:s9] =	ssyncadd.s32 @p0 $0xFFFFC000;
	s9 =	simm.s32 @p0 $0x1  }
0xcd: {  	s15 =	sand.u32 @p0 $0x280, s15;
	s16 =	sadd.s32 @p0 s7, s16;
	_ =	swait.ge @p0 [sflag:s9], $0x80  }
0xce: {  	s15 =	sor.u32 @p0 s15, s16;
	[sflag:s9] =	ssyncset.done @p0 $0x0  }
0xcf: {  	s15 =	sshrl.u32 @p0 s15, $0x3;
	s16 =	rddreg [dreg:$0x11];
	[sflag:s9] =	ssyncadd.s32 @p0 $0xFFFFFF80  }
0xd0: {  	[tilespmem:s14], [sflag:$0x5] =	stream.linear.gather @p0 [hbm4b:s16+s13], $0x4000, $0x38;
	[tilespmem:$0x1BE00] =	vst v63  }
0xd1: {  	s9 =	sadd.s32 @p0 s5, s15;
	s14 =	simm.s32 @!p0 $0x5  }
0xd2: {  	[tilespmem:s12], [sflag:$0x2] =	stream.linear.gather @p0 [hbm4b:s9+s13], $0x80, $0x38;
	[tilespmem:$0x1BE00] =	vst v63  }
0xd3: {  	_ =	swait.ge @!p0 [sflag:s14], $0x4000  }
0xd4: {  	s9 =	simm.s32 @!p0 $0x200;
	s12 =	simm.s32 @!p0 $0x7;
	[sflag:s14] =	ssyncset.done @!p0 $0x0  }
0xd5: {  	s13 =	simm.s32 @!p0 $0x80;
	[sflag:s14] =	ssyncadd.s32 @!p0 $0xFFFFC000;
	s14 =	simm.s32 @!p0 $0x100  }
0xd6: {  	[spmem:s3] =	stream.indirect.scatter.add.f32 @!p0 [tilespmem:s9], [sflag:$0x7], $0x80, s14, s13, $0xb8;
	[tilespmem:$0x1BE00] =	vst v63  }
0xd7: {  	_ =	swait.ge @!p0 [sflag:s12], $0x4000  }
0xd8: {  	[sflag:s12] =	ssyncset.done @!p0 $0x0  }
0xd9: {  	[sflag:s12] =	ssyncadd.s32 @!p0 $0xFFFFC000  }
0xda: {  	s15 =	sadd.s32 $0x2000, s17;
	_ =	swait.ge [sflag:s6], $0x4000  }
0xdb: {  	s13 =	sadd.s32 $0x2000, s16;
	s14 =	sadd.s32 $0x2000, s22;
	[sflag:s6] =	ssyncset.done $0x0  }
0xdc: {  	s16 =	sadd.s32 $0x2000, s21;
	s12 =	simm.s32 $0x480;
	[sflag:s6] =	ssyncadd.s32 $0xFFFFC000  }
.LBB2_4:
0xdd: {  	[spmem:s3] =	stream.indirect.scatter.add.f32 [tilespmem:s29], [sflag:$0x7], $0x80, s0, s24, $0xb8;
	[tilespmem:$0x1BE00] =	vst v63  }
0xde: {  	s19 =	smov.u32 s12  }
0xdf: {  	s9 =	sadd.s32 $0xFFFFFD80, s12;
	s20 =	sadd.s32 $0xFFFFFF00, s12;
	_ =	swait.ge [sflag:s23], $0x4000  }
0xe0: {  	s22 =	sadd.s32 $0xFFFFFE80, s12;
	s9 =	sand.u32 $0x3C00, s9;
	[sflag:s23] =	ssyncset.done $0x0  }
0xe1: {  	s22 =	sand.u32 $0x300, s22;
	s20 =	sand.u32 $0x380, s20;
	s9 =	sadd.s32 s7, s9  }
0xe2: {  	s22 =	sor.u32 s9, s22;
	s9 =	sor.u32 s9, s20;
	[sflag:s23] =	ssyncadd.s32 $0xFFFFC000  }
0xe3: {  	s20 =	sshrl.u32 s22, $0x3;
	s9 =	sshrl.u32 s9, $0x3;
	_ =	swait.ge [sflag:s28], $0x80  }
0xe4: {  	s12 =	sadd.s32 $0x200, s12;
	s20 =	sadd.s32 s5, s20;
	[sflag:s28] =	ssyncset.done $0x0  }
0xe5: {  	p0 =	sne.s32 s12, $0x2A80;
	[sflag:s28] =	ssyncadd.s32 $0xFFFFFF80  }
0xe6: {  	[tilespmem:s29], [sflag:$0x6] =	stream.linear.gather [hbm4b:s14+s4], $0x4000, $0x38;
	[tilespmem:$0x1BE00] =	vst v63  }
0xe7: {  	_ = 	snop  }
0xe8: {  	[tilespmem:s30], [sflag:$0x3] =	stream.linear.gather [hbm4b:s20+s4], $0x80, $0x38;
	[tilespmem:$0x1BE00] =	vst v63  }
0xe9: {  	_ =	swait.ge [sflag:s31], $0x4000  }
0xea: {  	[sflag:s31] =	ssyncset.done $0x0  }
0xeb: {  	[sflag:s31] =	ssyncadd.s32 $0xFFFFC000  }
0xec: {  	[spmem:s3] =	stream.indirect.scatter.add.f32 [tilespmem:s26], [sflag:$0x7], $0x80, s4, s24, $0xb8;
	[tilespmem:$0x1BE00] =	vst v63  }
0xed: {  	_ =	swait.ge [sflag:s23], $0x4000  }
0xee: {  	[sflag:s23] =	ssyncset.done $0x0  }
0xef: {  	[sflag:s23] =	ssyncadd.s32 $0xFFFFC000  }
0xf0: {  	_ =	swait.ge [sflag:s2], $0x80  }
0xf1: {  	s9 =	sadd.s32 s5, s9;
	[sflag:s2] =	ssyncset.done $0x0  }
0xf2: {  	[sflag:s2] =	ssyncadd.s32 $0xFFFFFF80  }
0xf3: {  	[tilespmem:s26], [sflag:$0x5] =	stream.linear.gather [hbm4b:s16+s4], $0x4000, $0x38;
	[tilespmem:$0x1BE00] =	vst v63  }
0xf4: {  	_ = 	snop  }
0xf5: {  	[tilespmem:s0], [sflag:$0x4] =	stream.linear.gather [hbm4b:s9+s4], $0x80, $0x38;
	[tilespmem:$0x1BE00] =	vst v63  }
0xf6: {  	_ =	swait.ge [sflag:s6], $0x4000  }
0xf7: {  	p1 =	sne.s32 s19, $0x2880;
	[sflag:s6] =	ssyncset.done $0x0  }
0xf8: {  	s20 =	sand.u32 @p1 $0x7C00, s19;
	s9 =	sadd.s32 @p1 $0xFFFFFF80, s19;
	[sflag:s6] =	ssyncadd.s32 $0xFFFFC000  }
0xf9: {  	[spmem:s3] =	stream.indirect.scatter.add.f32 [tilespmem:s29], [sflag:$0x7], $0x80, s24, s24, $0xb8;
	[tilespmem:$0x1BE00] =	vst v63  }
0xfa: {  	s22 =	sand.u32 @p1 $0x7C00, s9;
	s9 =	sand.u32 @p1 $0x200, s9;
	_ =	swait.ge [sflag:s23], $0x4000  }
0xfb: {  	s20 =	sadd.s32 @p1 s7, s20;
	s22 =	sadd.s32 @p1 s7, s22;
	[sflag:s23] =	ssyncset.done $0x0  }
0xfc: {  	s19 =	sand.u32 @p1 $0x280, s19;
	s9 =	sor.u32 @p1 s9, s22;
	[sflag:s23] =	ssyncadd.s32 $0xFFFFC000  }
0xfd: {  	s22 =	simm.s32 @p1 $0x5;
	s9 =	sshrl.u32 @p1 s9, $0x3;
	_ =	swait.ge [sflag:s8], $0x80  }
0xfe: {  	s25 =	simm.s32 @p1 $0x0;
	s9 =	sadd.s32 @p1 s5, s9;
	[sflag:s8] =	ssyncset.done $0x0  }
0xff: {  	s19 =	sor.u32 @p1 s19, s20;
	[sflag:s8] =	ssyncadd.s32 $0xFFFFFF80  }
0x100: {  	[tilespmem:s29], [sflag:$0x6] =	stream.linear.gather [hbm4b:s15+s4], $0x4000, $0x38;
	[tilespmem:$0x1BE00] =	vst v63  }
0x101: {  	s19 =	sshrl.u32 @p1 s19, $0x3  }
0x102: {  	[tilespmem:s25], [sflag:$0x1] =	stream.linear.gather @p1 [hbm4b:s9+s25], $0x80, $0x38;
	[tilespmem:$0x1BE00] =	vst v63  }
0x103: {  	s19 =	sadd.s32 @p1 s5, s19;
	s9 =	simm.s32 @p1 $0x7;
	_ =	swait.ge @p1 [sflag:s22], $0x4000  }
0x104: {  	s20 =	simm.s32 @p1 $0x200;
	[sflag:s22] =	ssyncset.done @p1 $0x0  }
0x105: {  	s18 =	simm.s32 @p1 $0x100;
	[sflag:s22] =	ssyncadd.s32 @p1 $0xFFFFC000;
	s22 =	simm.s32 @p1 $0x80  }
0x106: {  	[spmem:s3] =	stream.indirect.scatter.add.f32 @p1 [tilespmem:s20], [sflag:$0x7], $0x80, s18, s22, $0xb8;
	[tilespmem:$0x1BE00] =	vst v63  }
0x107: {  	_ =	swait.ge @p1 [sflag:s9], $0x4000  }
0x108: {  	[sflag:s9] =	ssyncset.done @p1 $0x0  }
0x109: {  	[sflag:s9] =	ssyncadd.s32 @p1 $0xFFFFC000;
	s9 =	simm.s32 @p1 $0x1  }
0x10a: {  	_ =	swait.ge @p1 [sflag:s9], $0x80  }
0x10b: {  	[sflag:s9] =	ssyncset.done @p1 $0x0  }
0x10c: {  	[sflag:s9] =	ssyncadd.s32 @p1 $0xFFFFFF80  }
0x10d: {  	[tilespmem:s20], [sflag:$0x5] =	stream.linear.gather @p1 [hbm4b:s13+s25], $0x4000, $0x38;
	[tilespmem:$0x1BE00] =	vst v63  }
0x10e: {  	s9 =	simm.s32 @!p1 $0x5  }
0x10f: {  	[tilespmem:s22], [sflag:$0x2] =	stream.linear.gather @p1 [hbm4b:s19+s25], $0x80, $0x38;
	[tilespmem:$0x1BE00] =	vst v63  }
0x110: {  	_ =	swait.ge @!p1 [sflag:s9], $0x4000  }
0x111: {  	s18 =	simm.s32 @!p1 $0x200;
	s19 =	simm.s32 @!p1 $0x7;
	[sflag:s9] =	ssyncset.done @!p1 $0x0  }
0x112: {  	s20 =	simm.s32 @!p1 $0x100;
	[sflag:s9] =	ssyncadd.s32 @!p1 $0xFFFFC000;
	s9 =	simm.s32 @!p1 $0x80  }
0x113: {  	[spmem:s3] =	stream.indirect.scatter.add.f32 @!p1 [tilespmem:s18], [sflag:$0x7], $0x80, s20, s9, $0xb8;
	[tilespmem:$0x1BE00] =	vst v63  }
0x114: {  	_ =	swait.ge @!p1 [sflag:s19], $0x4000  }
.Ltmp1:
0x115: {  	[sflag:s19] =	ssyncset.done @!p1 $0x0;
	(pc) =	sbr.rel @p0 .LBB2_4-.Ltmp1, $4  }
0x116: {  	[sflag:s19] =	ssyncadd.s32 @!p1 $0xFFFFC000  }
0x117: {  	_ =	swait.ge [sflag:s6], $0x4000  }
0x118: {  	s14 =	sadd.s32 $0x2000, s14;
	s13 =	sadd.s32 $0x2000, s13;
	[sflag:s6] =	ssyncset.done $0x0  }
0x119: {  	s16 =	sadd.s32 $0x2000, s16;
	s15 =	sadd.s32 $0x2000, s15;
	[sflag:s6] =	ssyncadd.s32 $0xFFFFC000  }
0x11a: {  	[spmem:s3] =	stream.indirect.scatter.add.f32 [tilespmem:s29], [sflag:$0x7], $0x80, s0, s24, $0xb8;
	[tilespmem:$0x1BE00] =	vst v63  }
0x11b: {  	_ =	swait.ge [sflag:s23], $0x4000  }
0x11c: {  	[sflag:s23] =	ssyncset.done $0x0  }
0x11d: {  	[sflag:s23] =	ssyncadd.s32 $0xFFFFC000  }
0x11e: {  	[bflag:$0x0] =	sbarrier.arrive $0xFFFF  }
0x11f: {  	s18 =	rddreg [dreg:$0x6]  }
0x120: {  	s9 =	rddreg [dreg:$0xd]  }
0x121: {  	[hbm:s9], [sflag:s18] =	dma.local [spmem:s11], $0x2780  }
0x122: {  	_ =	swait.ge [sflag:s23], $0x2780  }
0x123: {  	s10 =	sadd.s32 $0x1, s10;
	s25 =	rddreg [dreg:$0xe]  }
0x124: {  	p0 =	sne.s32 s10, s25  }
.Ltmp2:
0x125: {  	_ = 	snop;
	(pc) =	sbr.rel @p0 .LBB2_1-.Ltmp2, $3  }
0x126: {  	_ =	sdelay $0x1  }
0x127: {  	[sflag:s23] =	ssyncset.done $0x0  }
0x128: {  	[sflag:s23] =	ssyncadd.s32 $0xFFFFD880  }
0x129: {  	_ =	sfence.sel $0x180000  }
0x12a: {  	[bflag:$0x0] =	sbarrier.arrive $0xFFFF  }
0x12b: {  	_ =	strace $0x90000047  }
0x12c: {  	s0 =	stileid.u32;
	[bflag:$0x2] =	sbarrier.arrive $0xFFFF  }
0x12d: {  	p0 =	sne.s32 s0, $0x0;
	s0 =	rddreg [dreg:$0x3]  }
0x12e: {  	s0 =	sadd.s32 @!p0 $0x100000, s0  }
0x12f: {  	[sflag:s0] =	ssyncadd.tile.s32 @!p0 $0x1;
	_ =	shalt  }
.Lfunc_end2:
_tile_overlayer_lowered:
.L_overlay_start_2:
0x130: {  	(tag) =	ssettag $0x2  }
0x131: {  	s0 =	rddreg [dreg:$0x0];
	s2 =	stileid.u32  }
0x132: {  	s1 =	rddreg [dreg:$0x1];
	p0 =	sne.s32 s2, $0x0  }
0x133: {  	s3 =	rddreg [dreg:$0x2];
	[bflag:$0x3] =	sbarrier.arrive $0xFFFF;
	s2 =	simm.s32 @!p0 $0x1C07  }
0x134: {  	[timem:s3], [sflag:s2] =	dma.local @!p0 [hbm:s0], s1  }
0x135: {  	s0 =	simm.s32 @!p0 $0x7  }
0x136: {  	_ =	swait.ge @!p0 [sflag:s0], s1  }
0x137: {  	s1 =	ssub.s32 @!p0 $0x0, s1;
	[sflag:s0] =	ssyncset.done @!p0 $0x0  }
0x138: {  	[sflag:s0] =	ssyncadd.s32 @!p0 s1  }
0x139: {  	[bflag:$0x3] =	sbarrier.arrive $0xFFFF  }
0x13a: {  	_ =	shalt  }

</sc_bundles>
